<compile_context>
chip_gen: v7x
topology: tpu7x:2x2x1
jax: 0.10.2.dev20260603
libtpu: 0.0.44.dev20260713+nightly
codegen_flags: <defaults>
</compile_context>

<pallas_src>
import functools

import jax
import jax.numpy as jnp
from jax import lax
from jax.experimental import pallas as pl
from jax.experimental.pallas import tpu as pltpu
from jax.experimental.pallas import tpu_sc as plsc

N_PAD = 10240
N_TILES = 16
N_CORES = 2
N_WORKERS = N_CORES * N_TILES
ROWS_PER_TILE = N_PAD // N_TILES
E_CHUNK = 112
N_CHUNKS = 90
E_PAD = N_WORKERS * N_CHUNKS * E_CHUNK
PAD_NODE = 10200
F_HALF = 64
F2 = 8

def _worker_id():
    return lax.axis_index("s") * N_CORES + lax.axis_index("c")


def _mesh():
    return plsc.VectorSubcoreMesh(
        core_axis_name="c", subcore_axis_name="s",
        num_cores=N_CORES, num_subcores=N_TILES)



def _sc_degree_body(ei, degp, acc, idx_dst, ones_v, zeros_v):
    c = lax.axis_index("c")
    s = lax.axis_index("s")
    w = _worker_id()
    for i in range(E_CHUNK // 16):
        ones_v[pl.ds(i * 16, 16)] = jnp.ones((16,), jnp.float32)
    for i in range(ROWS_PER_TILE // 16):
        zeros_v[pl.ds(i * 16, 16)] = jnp.zeros((16,), jnp.float32)
    pltpu.sync_copy(zeros_v, acc.at[pl.ds(s * ROWS_PER_TILE, ROWS_PER_TILE)])
    pltpu.sync_copy(ei.at[1, w], idx_dst)
    plsc.subcore_barrier()

    def body(i, _):
        pltpu.sync_copy(ones_v, acc.at[idx_dst.at[i]], add=True)
        return ()

    lax.fori_loop(0, N_CHUNKS, body, ())
    plsc.subcore_barrier()
    pltpu.sync_copy(acc.at[pl.ds(s * ROWS_PER_TILE, ROWS_PER_TILE)],
                    degp.at[c, pl.ds(s * ROWS_PER_TILE, ROWS_PER_TILE)])



def _pipelined_agg(table, acc, idx_src, idx_dst, bufs, sems, n_chunks):
    depth = len(bufs)
    assert n_chunks % depth == 0

    def gather(i, buf, sem):
        pltpu.async_copy(table.at[idx_src.at[i]], buf, sem)

    def wait_gather(i, buf, sem):
        pltpu.make_async_copy(table.at[idx_src.at[i]], buf, sem).wait()

    def sync_scatter(i, buf):
        pltpu.sync_copy(buf, acc.at[idx_dst.at[i]], add=True)

    gather(0, bufs[0], sems[0])
    gather(1, bufs[1], sems[1])

    def body(k, _):
        for j in range(depth):
            i = depth * k + j
            inext = i + depth - 1
            bnext = (j + depth - 1) % depth

            @pl.when(inext < n_chunks)
            def _():
                gather(inext, bufs[bnext], sems[bnext])

            wait_gather(i, bufs[j], sems[j])
            sync_scatter(i, bufs[j])
        return ()

    lax.fori_loop(0, n_chunks // depth, body, ())


def _sc_agg1_body(p1, ei1, agg, acc, idx_src, idx_dst,
                  msg0, msg1, msg2, semg0, semg1, semg2):
    c = lax.axis_index("c")
    s = lax.axis_index("s")
    rows = pl.ds(s * ROWS_PER_TILE, ROWS_PER_TILE)
    pltpu.sync_copy(p1.at[c, rows], acc.at[rows])
    pltpu.sync_copy(ei1.at[0, s], idx_src)
    pltpu.sync_copy(ei1.at[1, s], idx_dst)
    plsc.subcore_barrier()
    _pipelined_agg(p1.at[c], acc, idx_src, idx_dst,
                   [msg0, msg1, msg2], [semg0, semg1, semg2], 2 * N_CHUNKS)
    plsc.subcore_barrier()
    pltpu.sync_copy(acc.at[rows], agg.at[c, rows])



def _sc_agg2_body(p2, ei, agg, acc, idx_src, idx_dst,
                  msg0, msg1, msg2, semg0, semg1, semg2):
    c = lax.axis_index("c")
    s = lax.axis_index("s")
    w = _worker_id()
    rows = pl.ds(s * ROWS_PER_TILE, ROWS_PER_TILE)
    pltpu.sync_copy(p2.at[rows], acc.at[rows])
    pltpu.sync_copy(ei.at[0, w], idx_src)
    pltpu.sync_copy(ei.at[1, w], idx_dst)
    plsc.subcore_barrier()
    _pipelined_agg(p2, acc, idx_src, idx_dst,
                   [msg0, msg1, msg2], [semg0, semg1, semg2], N_CHUNKS)
    plsc.subcore_barrier()
    pltpu.sync_copy(acc.at[rows], agg.at[c, rows])


@functools.cache
def _sc_kernels():
    sc_degree = pl.kernel(
        _sc_degree_body,
        out_type=jax.ShapeDtypeStruct((N_CORES, N_PAD), jnp.float32),
        mesh=_mesh(),
        compiler_params=pltpu.CompilerParams(use_tc_tiling_on_sc=False),
        scratch_types=[
            pltpu.VMEM_SHARED((N_PAD,), jnp.float32),
            pltpu.VMEM((N_CHUNKS, E_CHUNK), jnp.int32),
            pltpu.VMEM((E_CHUNK,), jnp.float32),
            pltpu.VMEM((ROWS_PER_TILE,), jnp.float32),
        ],
    )
    sc_agg1 = pl.kernel(
        _sc_agg1_body,
        out_type=jax.ShapeDtypeStruct((N_CORES, N_PAD, F_HALF), jnp.float32),
        mesh=_mesh(),
        compiler_params=pltpu.CompilerParams(use_tc_tiling_on_sc=False),
        scratch_types=[
            pltpu.VMEM_SHARED((N_PAD, F_HALF), jnp.float32),
            pltpu.VMEM((2 * N_CHUNKS, E_CHUNK), jnp.int32),
            pltpu.VMEM((2 * N_CHUNKS, E_CHUNK), jnp.int32),
            pltpu.VMEM((E_CHUNK, F_HALF), jnp.float32),
            pltpu.VMEM((E_CHUNK, F_HALF), jnp.float32),
            pltpu.VMEM((E_CHUNK, F_HALF), jnp.float32),
            pltpu.SemaphoreType.DMA,
            pltpu.SemaphoreType.DMA,
            pltpu.SemaphoreType.DMA,
        ],
    )
    sc_agg2 = pl.kernel(
        _sc_agg2_body,
        out_type=jax.ShapeDtypeStruct((N_CORES, N_PAD, F2), jnp.float32),
        mesh=_mesh(),
        compiler_params=pltpu.CompilerParams(use_tc_tiling_on_sc=False),
        scratch_types=[
            pltpu.VMEM_SHARED((N_PAD, F2), jnp.float32),
            pltpu.VMEM((N_CHUNKS, E_CHUNK), jnp.int32),
            pltpu.VMEM((N_CHUNKS, E_CHUNK), jnp.int32),
            pltpu.VMEM((E_CHUNK, F2), jnp.float32),
            pltpu.VMEM((E_CHUNK, F2), jnp.float32),
            pltpu.VMEM((E_CHUNK, F2), jnp.float32),
            pltpu.SemaphoreType.DMA,
            pltpu.SemaphoreType.DMA,
            pltpu.SemaphoreType.DMA,
        ],
    )
    return sc_degree, sc_agg1, sc_agg2



def _tc1_body(x_ref, w_ref, degp_ref, p1_ref, dinv_ref):
    deg = degp_ref[:, 0:1] + degp_ref[:, 1:2] + 1.0
    dinv = lax.rsqrt(deg)
    dinv_ref[...] = dinv
    h = jnp.dot(x_ref[...], w_ref[0], preferred_element_type=jnp.float32)
    p1_ref[...] = (h * dinv)[None]


def _tc2_body(agg_ref, dinv_ref, b1_ref, w2_ref, p2_ref):
    dinv = dinv_ref[...]
    h = jnp.concatenate([agg_ref[0], agg_ref[1]], axis=1)
    r = jax.nn.relu(h * dinv + b1_ref[...])
    p2_ref[...] = jnp.dot(r, w2_ref[...],
                          preferred_element_type=jnp.float32) * dinv


def _tc3_body(agg_ref, p2_ref, dinv_ref, b2_ref, out_ref):
    tot = agg_ref[0] + agg_ref[1] - p2_ref[...]
    out_ref[...] = tot * dinv_ref[...] + b2_ref[...]



def kernel(x, edge_index, W1, b1, W2, b2):
    n, in_ch = x.shape
    ei32 = edge_index.astype(jnp.int32)
    pad_ids = 10000 + jnp.arange(E_PAD - ei32.shape[1], dtype=jnp.int32) % 240
    ei32 = jnp.concatenate(
        [ei32, jnp.stack([pad_ids, pad_ids])], axis=1)
    ei = ei32.reshape(2, N_WORKERS, N_CHUNKS, E_CHUNK)
    ei1 = ei32.reshape(2, N_TILES, 2 * N_CHUNKS, E_CHUNK)
    x_pad = jnp.pad(x, ((0, N_PAD - n), (0, 0)))
    w2_pad = jnp.pad(W2, ((0, 0), (0, F2 - W2.shape[1])))
    b2_pad = jnp.pad(b2, (0, F2 - b2.shape[0])).reshape(1, F2)
    b1_row = b1.reshape(1, -1)
    w1_split = W1.reshape(in_ch, N_CORES, F_HALF).transpose(1, 0, 2)
    _sc_degree, _sc_agg1, _sc_agg2 = _sc_kernels()

    degp = _sc_degree(ei)
    degp2 = degp.T

    p1, dinv = pl.pallas_call(
        _tc1_body,
        grid=(N_CORES,),
        in_specs=[
            pl.BlockSpec((N_PAD, in_ch), lambda c: (0, 0)),
            pl.BlockSpec((1, in_ch, F_HALF), lambda c: (c, 0, 0)),
            pl.BlockSpec((N_PAD, 2), lambda c: (0, 0)),
        ],
        out_specs=[
            pl.BlockSpec((1, N_PAD, F_HALF), lambda c: (c, 0, 0)),
            pl.BlockSpec((N_PAD, 1), lambda c: (0, 0)),
        ],
        out_shape=[
            jax.ShapeDtypeStruct((N_CORES, N_PAD, F_HALF), jnp.float32),
            jax.ShapeDtypeStruct((N_PAD, 1), jnp.float32),
        ],
    )(x_pad, w1_split, degp2)

    agg1 = _sc_agg1(p1, ei1)

    p2 = pl.pallas_call(
        _tc2_body,
        out_shape=jax.ShapeDtypeStruct((N_PAD, F2), jnp.float32),
    )(agg1, dinv, b1_row, w2_pad)

    agg2 = _sc_agg2(p2, ei)

    out = pl.pallas_call(
        _tc3_body,
        out_shape=jax.ShapeDtypeStruct((N_PAD, F2), jnp.float32),
    )(agg2, p2, dinv, b2_pad)

    return out[:n, :3]

# --- scband reference (transcript-rebuilt; emitter-appended) ---
"""Pipeline reference for scband-conformal-gcn-42468636623302 (READ-ONLY COPY).

The authoritative reference and input builder live on the scoring server;
editing this copy changes nothing except your own understanding.
"""

import jax, jax.numpy as jnp
import numpy as np

N_NODES = 10000


def gcn_conv(x, W, b, edge_index, n):
    # PyG GCNConv semantics: add self loops, symmetric degree normalization,
    # linear transform, scatter-add aggregation, bias.
    src = edge_index[0]
    dst = edge_index[1]
    loop = jnp.arange(n, dtype=edge_index.dtype)
    src = jnp.concatenate([src, loop], axis=0)
    dst = jnp.concatenate([dst, loop], axis=0)
    ones = jnp.ones(src.shape[0], dtype=x.dtype)
    deg = jax.ops.segment_sum(ones, dst, num_segments=n)
    deg_inv_sqrt = jnp.where(deg > 0, deg ** -0.5, 0.0)
    norm = deg_inv_sqrt[src] * deg_inv_sqrt[dst]
    h = x @ W
    msg = h[src] * norm[:, None]
    out = jax.ops.segment_sum(msg, dst, num_segments=n)
    return out + b


def setup_inputs(seed: int = 0) -> dict:
    key = jax.random.key(seed)
    k1, k2, k3, k4, k5, k6 = jax.random.split(key, 6)
    in_ch, hid_ch, out_ch = 128, 128, 1
    final_dim = out_ch * 3  # regression task
    x = jax.random.normal(k1, (N_NODES, in_ch), dtype=jnp.float32)
    edge_index = jax.random.randint(k2, (2, 320000), 0, N_NODES, dtype=jnp.int64)
    W1 = jax.random.normal(k3, (in_ch, hid_ch), dtype=jnp.float32) * (1.0 / np.sqrt(in_ch))
    b1 = jnp.zeros((hid_ch,), dtype=jnp.float32)
    W2 = jax.random.normal(k4, (hid_ch, final_dim), dtype=jnp.float32) * (1.0 / np.sqrt(hid_ch))
    b2 = jnp.zeros((final_dim,), dtype=jnp.float32)
    return {"x": x, "edge_index": edge_index, "W1": W1, "b1": b1, "W2": W2, "b2": b2}


def reference(x, edge_index, W1, b1, W2, b2):
    n = x.shape[0]
    h = jax.nn.relu(gcn_conv(x, W1, b1, edge_index, n))
    # dropout p=0.5 is identity in eval mode (training=False)
    out = gcn_conv(h, W2, b2, edge_index, n)
    d = out.shape[1] // 3
    pred = out[:, :d]
    lower = out[:, d:2 * d]
    upper = out[:, 2 * d:]
    return jnp.concatenate([pred, lower, upper], axis=1)

if __name__ == "__main__":
    import jax
    _d = setup_inputs()
    print(jax.jit(kernel)(*tuple(_d.values())))

</pallas_src>

<mosaic_0001>
#map = affine_map<(d0, d1) -> (0, 0)>
#map1 = affine_map<(d0, d1) -> (0, 0, 0, 0)>
#map2 = affine_map<(d0, d1) -> (0, 0, 0)>
module attributes {stable_mosaic.version = 14 : i64} {
  func.func @_sc_agg2_body(%arg0: i32, %arg1: i32, %arg2: memref<10240x8xf32, #tpu.memory_space<hbm>>, %arg3: memref<2x32x90x112xi32, #tpu.memory_space<hbm>>, %arg4: memref<2x10240x8xf32, #tpu.memory_space<hbm>>, %arg5: memref<10240x8xf32, #tpu.memory_space<vmem_shared>>, %arg6: memref<90x112xi32, #tpu.memory_space<vmem>>, %arg7: memref<90x112xi32, #tpu.memory_space<vmem>>, %arg8: memref<112x8xf32, #tpu.memory_space<vmem>>, %arg9: memref<112x8xf32, #tpu.memory_space<vmem>>, %arg10: memref<112x8xf32, #tpu.memory_space<vmem>>, %arg11: memref<!tpu.dma_semaphore, #tpu.memory_space<semaphore_mem>>, %arg12: memref<!tpu.dma_semaphore, #tpu.memory_space<semaphore_mem>>, %arg13: memref<!tpu.dma_semaphore, #tpu.memory_space<semaphore_mem>>) attributes {dimension_semantics = [#tpu.dimension_semantics<core_parallel>, #tpu.dimension_semantics<subcore_parallel>], iteration_bounds = array<i64: 2, 16>, scalar_prefetch = 0 : i64, scratch_operands = 9 : i64, tpu.core_type = #tpu.core_type<sc_vector_subcore>, window_params = [{transform_indices = #map}, {transform_indices = #map1}, {transform_indices = #map2}]} {
    %mul3A = arith.constant 2 : i32
    %mul3A_0 = arith.muli %arg1, %mul3A : i32
    %add3A = arith.addi %mul3A_0, %arg0 : i32
    %mul3A_1 = arith.constant 640 : i32
    %mul3A_2 = arith.muli %arg1, %mul3A_1 : i32
    "tpu.region"() ({
      %run_scoped3A_22 = tpu.sem_alloc : memref<!tpu.dma_semaphore, #tpu.memory_space<semaphore_mem>>
      %dma_start3A_23 = arith.constant 0 : i32
      %dma_start3A_24 = tpu.memref_slice %arg5[%mul3A_2, %dma_start3A_23] : memref<10240x8xf32, #tpu.memory_space<vmem_shared>> -> memref<640x8xf32, #tpu.memory_space<vmem_shared>>
      %dma_start3A_25 = arith.constant 0 : i32
      %dma_start3A_26 = tpu.memref_slice %arg2[%mul3A_2, %dma_start3A_25] : memref<10240x8xf32, #tpu.memory_space<hbm>> -> memref<640x8xf32, #tpu.memory_space<hbm>>
      tpu.enqueue_dma source(%dma_start3A_26 : memref<640x8xf32, #tpu.memory_space<hbm>>) target(%dma_start3A_24 : memref<640x8xf32, #tpu.memory_space<vmem_shared>>) target_semaphore(%run_scoped3A_22 : memref<!tpu.dma_semaphore, #tpu.memory_space<semaphore_mem>>)
      %dma_wait3A = arith.constant 0 : i32
      %dma_wait3A_27 = tpu.memref_slice %arg5[%mul3A_2, %dma_wait3A] : memref<10240x8xf32, #tpu.memory_space<vmem_shared>> -> memref<640x8xf32, #tpu.memory_space<vmem_shared>>
      %dma_wait3A_28 = arith.constant 0 : i32
      %dma_wait3A_29 = tpu.memref_slice %arg2[%mul3A_2, %dma_wait3A_28] : memref<10240x8xf32, #tpu.memory_space<hbm>> -> memref<640x8xf32, #tpu.memory_space<hbm>>
      tpu.wait_dma2 semaphore(%run_scoped3A_22 : memref<!tpu.dma_semaphore, #tpu.memory_space<semaphore_mem>>) src(%dma_wait3A_29 : memref<640x8xf32, #tpu.memory_space<hbm>>) dst(%dma_wait3A_27 : memref<640x8xf32, #tpu.memory_space<vmem_shared>>)
      tpu.yield
    }) : () -> ()
    %run_scoped3A = arith.constant 0 : i32
    "tpu.region"() ({
      %run_scoped3A_22 = tpu.sem_alloc : memref<!tpu.dma_semaphore, #tpu.memory_space<semaphore_mem>>
      %dma_start3A_23 = arith.constant 0 : i32
      %dma_start3A_24 = arith.constant 0 : i32
      %dma_start3A_25 = tpu.memref_slice %arg3[%run_scoped3A, %add3A, %dma_start3A_23, %dma_start3A_24] : memref<2x32x90x112xi32, #tpu.memory_space<hbm>> -> memref<1x1x90x112xi32, #tpu.memory_space<hbm>>
      %dma_start3A_26 = tpu.memref_squeeze %dma_start3A_25 : memref<1x1x90x112xi32, #tpu.memory_space<hbm>> -> memref<90x112xi32, #tpu.memory_space<hbm>>
      %dma_start3A_27 = arith.constant 0 : i32
      %dma_start3A_28 = arith.constant 0 : i32
      %dma_start3A_29 = tpu.memref_slice %arg3[%run_scoped3A, %add3A, %dma_start3A_27, %dma_start3A_28] : memref<2x32x90x112xi32, #tpu.memory_space<hbm>> -> memref<1x1x90x112xi32, #tpu.memory_space<hbm>>
      %dma_start3A_30 = tpu.memref_squeeze %dma_start3A_29 : memref<1x1x90x112xi32, #tpu.memory_space<hbm>> -> memref<90x112xi32, #tpu.memory_space<hbm>>
      tpu.enqueue_dma source(%dma_start3A_30 : memref<90x112xi32, #tpu.memory_space<hbm>>) target(%arg6 : memref<90x112xi32, #tpu.memory_space<vmem>>) target_semaphore(%run_scoped3A_22 : memref<!tpu.dma_semaphore, #tpu.memory_space<semaphore_mem>>)
      %dma_wait3A = arith.constant 0 : i32
      %dma_wait3A_31 = arith.constant 0 : i32
      %dma_wait3A_32 = tpu.memref_slice %arg3[%run_scoped3A, %add3A, %dma_wait3A, %dma_wait3A_31] : memref<2x32x90x112xi32, #tpu.memory_space<hbm>> -> memref<1x1x90x112xi32, #tpu.memory_space<hbm>>
      %dma_wait3A_33 = tpu.memref_squeeze %dma_wait3A_32 : memref<1x1x90x112xi32, #tpu.memory_space<hbm>> -> memref<90x112xi32, #tpu.memory_space<hbm>>
      %dma_wait3A_34 = arith.constant 0 : i32
      %dma_wait3A_35 = arith.constant 0 : i32
      %dma_wait3A_36 = tpu.memref_slice %arg3[%run_scoped3A, %add3A, %dma_wait3A_34, %dma_wait3A_35] : memref<2x32x90x112xi32, #tpu.memory_space<hbm>> -> memref<1x1x90x112xi32, #tpu.memory_space<hbm>>
      %dma_wait3A_37 = tpu.memref_squeeze %dma_wait3A_36 : memref<1x1x90x112xi32, #tpu.memory_space<hbm>> -> memref<90x112xi32, #tpu.memory_space<hbm>>
      tpu.wait_dma2 semaphore(%run_scoped3A_22 : memref<!tpu.dma_semaphore, #tpu.memory_space<semaphore_mem>>) src(%dma_wait3A_37 : memref<90x112xi32, #tpu.memory_space<hbm>>) dst(%arg6 : memref<90x112xi32, #tpu.memory_space<vmem>>)
      tpu.yield
    }) : () -> ()
    %run_scoped3A_3 = arith.constant 1 : i32
    "tpu.region"() ({
      %run_scoped3A_22 = tpu.sem_alloc : memref<!tpu.dma_semaphore, #tpu.memory_space<semaphore_mem>>
      %dma_start3A_23 = arith.constant 0 : i32
      %dma_start3A_24 = arith.constant 0 : i32
      %dma_start3A_25 = tpu.memref_slice %arg3[%run_scoped3A_3, %add3A, %dma_start3A_23, %dma_start3A_24] : memref<2x32x90x112xi32, #tpu.memory_space<hbm>> -> memref<1x1x90x112xi32, #tpu.memory_space<hbm>>
      %dma_start3A_26 = tpu.memref_squeeze %dma_start3A_25 : memref<1x1x90x112xi32, #tpu.memory_space<hbm>> -> memref<90x112xi32, #tpu.memory_space<hbm>>
      %dma_start3A_27 = arith.constant 0 : i32
      %dma_start3A_28 = arith.constant 0 : i32
      %dma_start3A_29 = tpu.memref_slice %arg3[%run_scoped3A_3, %add3A, %dma_start3A_27, %dma_start3A_28] : memref<2x32x90x112xi32, #tpu.memory_space<hbm>> -> memref<1x1x90x112xi32, #tpu.memory_space<hbm>>
      %dma_start3A_30 = tpu.memref_squeeze %dma_start3A_29 : memref<1x1x90x112xi32, #tpu.memory_space<hbm>> -> memref<90x112xi32, #tpu.memory_space<hbm>>
      tpu.enqueue_dma source(%dma_start3A_30 : memref<90x112xi32, #tpu.memory_space<hbm>>) target(%arg7 : memref<90x112xi32, #tpu.memory_space<vmem>>) target_semaphore(%run_scoped3A_22 : memref<!tpu.dma_semaphore, #tpu.memory_space<semaphore_mem>>)
      %dma_wait3A = arith.constant 0 : i32
      %dma_wait3A_31 = arith.constant 0 : i32
      %dma_wait3A_32 = tpu.memref_slice %arg3[%run_scoped3A_3, %add3A, %dma_wait3A, %dma_wait3A_31] : memref<2x32x90x112xi32, #tpu.memory_space<hbm>> -> memref<1x1x90x112xi32, #tpu.memory_space<hbm>>
      %dma_wait3A_33 = tpu.memref_squeeze %dma_wait3A_32 : memref<1x1x90x112xi32, #tpu.memory_space<hbm>> -> memref<90x112xi32, #tpu.memory_space<hbm>>
      %dma_wait3A_34 = arith.constant 0 : i32
      %dma_wait3A_35 = arith.constant 0 : i32
      %dma_wait3A_36 = tpu.memref_slice %arg3[%run_scoped3A_3, %add3A, %dma_wait3A_34, %dma_wait3A_35] : memref<2x32x90x112xi32, #tpu.memory_space<hbm>> -> memref<1x1x90x112xi32, #tpu.memory_space<hbm>>
      %dma_wait3A_37 = tpu.memref_squeeze %dma_wait3A_36 : memref<1x1x90x112xi32, #tpu.memory_space<hbm>> -> memref<90x112xi32, #tpu.memory_space<hbm>>
      tpu.wait_dma2 semaphore(%run_scoped3A_22 : memref<!tpu.dma_semaphore, #tpu.memory_space<semaphore_mem>>) src(%dma_wait3A_37 : memref<90x112xi32, #tpu.memory_space<hbm>>) dst(%arg7 : memref<90x112xi32, #tpu.memory_space<vmem>>)
      tpu.yield
    }) : () -> ()
    %barrier3A = arith.constant 0 : index
    tpu.barrier barrier_id(%barrier3A)
    %dma_start3A = arith.constant 0 : i32
    %dma_start3A_4 = arith.constant 0 : i32
    %dma_start3A_5 = tpu.memref_slice %arg6[%dma_start3A, %dma_start3A_4] : memref<90x112xi32, #tpu.memory_space<vmem>> -> memref<1x112xi32, #tpu.memory_space<vmem>>
    %dma_start3A_6 = tpu.memref_squeeze %dma_start3A_5 : memref<1x112xi32, #tpu.memory_space<vmem>> -> memref<112xi32, #tpu.memory_space<vmem>>
    %dma_start3A_7 = arith.constant 0 : i32
    %dma_start3A_8 = arith.constant 0 : i32
    %dma_start3A_9 = tpu.memref_slice %arg2[%dma_start3A_7, %dma_start3A_8] : memref<10240x8xf32, #tpu.memory_space<hbm>> -> memref<10240x8xf32, #tpu.memory_space<hbm>>
    tpu.enqueue_indirect_dma source(%dma_start3A_9 : memref<10240x8xf32, #tpu.memory_space<hbm>>) target(%arg8 : memref<112x8xf32, #tpu.memory_space<vmem>>) offsets(%dma_start3A_6 : memref<112xi32, #tpu.memory_space<vmem>>) semaphore(%arg11 : memref<!tpu.dma_semaphore, #tpu.memory_space<semaphore_mem>>)
    %dma_start3A_10 = arith.constant 1 : i32
    %dma_start3A_11 = arith.constant 0 : i32
    %dma_start3A_12 = tpu.memref_slice %arg6[%dma_start3A_10, %dma_start3A_11] : memref<90x112xi32, #tpu.memory_space<vmem>> -> memref<1x112xi32, #tpu.memory_space<vmem>>
    %dma_start3A_13 = tpu.memref_squeeze %dma_start3A_12 : memref<1x112xi32, #tpu.memory_space<vmem>> -> memref<112xi32, #tpu.memory_space<vmem>>
    %dma_start3A_14 = arith.constant 0 : i32
    %dma_start3A_15 = arith.constant 0 : i32
    %dma_start3A_16 = tpu.memref_slice %arg2[%dma_start3A_14, %dma_start3A_15] : memref<10240x8xf32, #tpu.memory_space<hbm>> -> memref<10240x8xf32, #tpu.memory_space<hbm>>
    tpu.enqueue_indirect_dma source(%dma_start3A_16 : memref<10240x8xf32, #tpu.memory_space<hbm>>) target(%arg9 : memref<112x8xf32, #tpu.memory_space<vmem>>) offsets(%dma_start3A_13 : memref<112xi32, #tpu.memory_space<vmem>>) semaphore(%arg12 : memref<!tpu.dma_semaphore, #tpu.memory_space<semaphore_mem>>)
    %scan3A = arith.constant 0 : i32
    %scan3A_17 = arith.constant 30 : i32
    %scan3A_18 = arith.addi %scan3A, %scan3A_17 : i32
    %scan3A_19 = arith.constant 1 : i32
    scf.for %scan3A_22 = %scan3A to %scan3A_18 step %scan3A_19  : i32 {
      %mul3A_23 = arith.constant 3 : i32
      %mul3A_24 = arith.muli %mul3A_23, %scan3A_22 : i32
      %add3A_25 = arith.constant 0 : i32
      %add3A_26 = arith.addi %mul3A_24, %add3A_25 : i32
      %add3A_27 = arith.constant 3 : i32
      %add3A_28 = arith.addi %add3A_26, %add3A_27 : i32
      %sub3A = arith.constant 1 : i32
      %sub3A_29 = arith.subi %add3A_28, %sub3A : i32
      %lt3A = arith.constant 90 : i32
      %lt3A_30 = arith.cmpi slt, %sub3A_29, %lt3A : i32
      %convert_element_type3A = arith.extui %lt3A_30 : i1 to i32
      %cond3A = arith.constant 0 : i32
      %cond3A_31 = arith.cmpi ne, %convert_element_type3A, %cond3A : i32
      scf.if %cond3A_31 {
        %dma_start3A_75 = arith.constant 0 : i32
        %dma_start3A_76 = tpu.memref_slice %arg6[%sub3A_29, %dma_start3A_75] : memref<90x112xi32, #tpu.memory_space<vmem>> -> memref<1x112xi32, #tpu.memory_space<vmem>>
        %dma_start3A_77 = tpu.memref_squeeze %dma_start3A_76 : memref<1x112xi32, #tpu.memory_space<vmem>> -> memref<112xi32, #tpu.memory_space<vmem>>
        %dma_start3A_78 = arith.constant 0 : i32
        %dma_start3A_79 = arith.constant 0 : i32
        %dma_start3A_80 = tpu.memref_slice %arg2[%dma_start3A_78, %dma_start3A_79] : memref<10240x8xf32, #tpu.memory_space<hbm>> -> memref<10240x8xf32, #tpu.memory_space<hbm>>
        tpu.enqueue_indirect_dma source(%dma_start3A_80 : memref<10240x8xf32, #tpu.memory_space<hbm>>) target(%arg10 : memref<112x8xf32, #tpu.memory_space<vmem>>) offsets(%dma_start3A_77 : memref<112xi32, #tpu.memory_space<vmem>>) semaphore(%arg13 : memref<!tpu.dma_semaphore, #tpu.memory_space<semaphore_mem>>)
      } else {
      }
      %dma_wait3A = arith.constant 0 : i32
      %dma_wait3A_32 = tpu.memref_slice %arg6[%add3A_26, %dma_wait3A] : memref<90x112xi32, #tpu.memory_space<vmem>> -> memref<1x112xi32, #tpu.memory_space<vmem>>
      %dma_wait3A_33 = tpu.memref_squeeze %dma_wait3A_32 : memref<1x112xi32, #tpu.memory_space<vmem>> -> memref<112xi32, #tpu.memory_space<vmem>>
      %dma_wait3A_34 = arith.constant 0 : i32
      %dma_wait3A_35 = arith.constant 0 : i32
      %dma_wait3A_36 = tpu.memref_slice %arg2[%dma_wait3A_34, %dma_wait3A_35] : memref<10240x8xf32, #tpu.memory_space<hbm>> -> memref<10240x8xf32, #tpu.memory_space<hbm>>
      tpu.wait_indirect_dma semaphore(%arg11 : memref<!tpu.dma_semaphore, #tpu.memory_space<semaphore_mem>>) src(%dma_wait3A_36 : memref<10240x8xf32, #tpu.memory_space<hbm>>) dst(%arg8 : memref<112x8xf32, #tpu.memory_space<vmem>>)
      "tpu.region"() ({
        %run_scoped3A_75 = tpu.sem_alloc : memref<!tpu.dma_semaphore, #tpu.memory_space<semaphore_mem>>
        %dma_start3A_76 = arith.constant 0 : i32
        %dma_start3A_77 = tpu.memref_slice %arg7[%add3A_26, %dma_start3A_76] : memref<90x112xi32, #tpu.memory_space<vmem>> -> memref<1x112xi32, #tpu.memory_space<vmem>>
        %dma_start3A_78 = tpu.memref_squeeze %dma_start3A_77 : memref<1x112xi32, #tpu.memory_space<vmem>> -> memref<112xi32, #tpu.memory_space<vmem>>
        %dma_start3A_79 = arith.constant 0 : i32
        %dma_start3A_80 = arith.constant 0 : i32
        %dma_start3A_81 = tpu.memref_slice %arg5[%dma_start3A_79, %dma_start3A_80] : memref<10240x8xf32, #tpu.memory_space<vmem_shared>> -> memref<10240x8xf32, #tpu.memory_space<vmem_shared>>
        tpu.enqueue_indirect_dma source(%arg8 : memref<112x8xf32, #tpu.memory_space<vmem>>) target(%dma_start3A_81 : memref<10240x8xf32, #tpu.memory_space<vmem_shared>>) offsets(%dma_start3A_78 : memref<112xi32, #tpu.memory_space<vmem>>) semaphore(%run_scoped3A_75 : memref<!tpu.dma_semaphore, #tpu.memory_space<semaphore_mem>>) {add = true}
        %dma_wait3A_82 = arith.constant 0 : i32
        %dma_wait3A_83 = tpu.memref_slice %arg7[%add3A_26, %dma_wait3A_82] : memref<90x112xi32, #tpu.memory_space<vmem>> -> memref<1x112xi32, #tpu.memory_space<vmem>>
        %dma_wait3A_84 = tpu.memref_squeeze %dma_wait3A_83 : memref<1x112xi32, #tpu.memory_space<vmem>> -> memref<112xi32, #tpu.memory_space<vmem>>
        %dma_wait3A_85 = arith.constant 0 : i32
        %dma_wait3A_86 = arith.constant 0 : i32
        %dma_wait3A_87 = tpu.memref_slice %arg5[%dma_wait3A_85, %dma_wait3A_86] : memref<10240x8xf32, #tpu.memory_space<vmem_shared>> -> memref<10240x8xf32, #tpu.memory_space<vmem_shared>>
        tpu.wait_indirect_dma semaphore(%run_scoped3A_75 : memref<!tpu.dma_semaphore, #tpu.memory_space<semaphore_mem>>) src(%arg8 : memref<112x8xf32, #tpu.memory_space<vmem>>) dst(%dma_wait3A_87 : memref<10240x8xf32, #tpu.memory_space<vmem_shared>>)
        tpu.yield
      }) : () -> ()
      %mul3A_37 = arith.constant 3 : i32
      %mul3A_38 = arith.muli %mul3A_37, %scan3A_22 : i32
      %add3A_39 = arith.constant 1 : i32
      %add3A_40 = arith.addi %mul3A_38, %add3A_39 : i32
      %add3A_41 = arith.constant 3 : i32
      %add3A_42 = arith.addi %add3A_40, %add3A_41 : i32
      %sub3A_43 = arith.constant 1 : i32
      %sub3A_44 = arith.subi %add3A_42, %sub3A_43 : i32
      %lt3A_45 = arith.constant 90 : i32
      %lt3A_46 = arith.cmpi slt, %sub3A_44, %lt3A_45 : i32
      %convert_element_type3A_47 = arith.extui %lt3A_46 : i1 to i32
      %cond3A_48 = arith.constant 0 : i32
      %cond3A_49 = arith.cmpi ne, %convert_element_type3A_47, %cond3A_48 : i32
      scf.if %cond3A_49 {
        %dma_start3A_75 = arith.constant 0 : i32
        %dma_start3A_76 = tpu.memref_slice %arg6[%sub3A_44, %dma_start3A_75] : memref<90x112xi32, #tpu.memory_space<vmem>> -> memref<1x112xi32, #tpu.memory_space<vmem>>
        %dma_start3A_77 = tpu.memref_squeeze %dma_start3A_76 : memref<1x112xi32, #tpu.memory_space<vmem>> -> memref<112xi32, #tpu.memory_space<vmem>>
        %dma_start3A_78 = arith.constant 0 : i32
        %dma_start3A_79 = arith.constant 0 : i32
        %dma_start3A_80 = tpu.memref_slice %arg2[%dma_start3A_78, %dma_start3A_79] : memref<10240x8xf32, #tpu.memory_space<hbm>> -> memref<10240x8xf32, #tpu.memory_space<hbm>>
        tpu.enqueue_indirect_dma source(%dma_start3A_80 : memref<10240x8xf32, #tpu.memory_space<hbm>>) target(%arg8 : memref<112x8xf32, #tpu.memory_space<vmem>>) offsets(%dma_start3A_77 : memref<112xi32, #tpu.memory_space<vmem>>) semaphore(%arg11 : memref<!tpu.dma_semaphore, #tpu.memory_space<semaphore_mem>>)
      } else {
      }
      %dma_wait3A_50 = arith.constant 0 : i32
      %dma_wait3A_51 = tpu.memref_slice %arg6[%add3A_40, %dma_wait3A_50] : memref<90x112xi32, #tpu.memory_space<vmem>> -> memref<1x112xi32, #tpu.memory_space<vmem>>
      %dma_wait3A_52 = tpu.memref_squeeze %dma_wait3A_51 : memref<1x112xi32, #tpu.memory_space<vmem>> -> memref<112xi32, #tpu.memory_space<vmem>>
      %dma_wait3A_53 = arith.constant 0 : i32
      %dma_wait3A_54 = arith.constant 0 : i32
      %dma_wait3A_55 = tpu.memref_slice %arg2[%dma_wait3A_53, %dma_wait3A_54] : memref<10240x8xf32, #tpu.memory_space<hbm>> -> memref<10240x8xf32, #tpu.memory_space<hbm>>
      tpu.wait_indirect_dma semaphore(%arg12 : memref<!tpu.dma_semaphore, #tpu.memory_space<semaphore_mem>>) src(%dma_wait3A_55 : memref<10240x8xf32, #tpu.memory_space<hbm>>) dst(%arg9 : memref<112x8xf32, #tpu.memory_space<vmem>>)
      "tpu.region"() ({
        %run_scoped3A_75 = tpu.sem_alloc : memref<!tpu.dma_semaphore, #tpu.memory_space<semaphore_mem>>
        %dma_start3A_76 = arith.constant 0 : i32
        %dma_start3A_77 = tpu.memref_slice %arg7[%add3A_40, %dma_start3A_76] : memref<90x112xi32, #tpu.memory_space<vmem>> -> memref<1x112xi32, #tpu.memory_space<vmem>>
        %dma_start3A_78 = tpu.memref_squeeze %dma_start3A_77 : memref<1x112xi32, #tpu.memory_space<vmem>> -> memref<112xi32, #tpu.memory_space<vmem>>
        %dma_start3A_79 = arith.constant 0 : i32
        %dma_start3A_80 = arith.constant 0 : i32
        %dma_start3A_81 = tpu.memref_slice %arg5[%dma_start3A_79, %dma_start3A_80] : memref<10240x8xf32, #tpu.memory_space<vmem_shared>> -> memref<10240x8xf32, #tpu.memory_space<vmem_shared>>
        tpu.enqueue_indirect_dma source(%arg9 : memref<112x8xf32, #tpu.memory_space<vmem>>) target(%dma_start3A_81 : memref<10240x8xf32, #tpu.memory_space<vmem_shared>>) offsets(%dma_start3A_78 : memref<112xi32, #tpu.memory_space<vmem>>) semaphore(%run_scoped3A_75 : memref<!tpu.dma_semaphore, #tpu.memory_space<semaphore_mem>>) {add = true}
        %dma_wait3A_82 = arith.constant 0 : i32
        %dma_wait3A_83 = tpu.memref_slice %arg7[%add3A_40, %dma_wait3A_82] : memref<90x112xi32, #tpu.memory_space<vmem>> -> memref<1x112xi32, #tpu.memory_space<vmem>>
        %dma_wait3A_84 = tpu.memref_squeeze %dma_wait3A_83 : memref<1x112xi32, #tpu.memory_space<vmem>> -> memref<112xi32, #tpu.memory_space<vmem>>
        %dma_wait3A_85 = arith.constant 0 : i32
        %dma_wait3A_86 = arith.constant 0 : i32
        %dma_wait3A_87 = tpu.memref_slice %arg5[%dma_wait3A_85, %dma_wait3A_86] : memref<10240x8xf32, #tpu.memory_space<vmem_shared>> -> memref<10240x8xf32, #tpu.memory_space<vmem_shared>>
        tpu.wait_indirect_dma semaphore(%run_scoped3A_75 : memref<!tpu.dma_semaphore, #tpu.memory_space<semaphore_mem>>) src(%arg9 : memref<112x8xf32, #tpu.memory_space<vmem>>) dst(%dma_wait3A_87 : memref<10240x8xf32, #tpu.memory_space<vmem_shared>>)
        tpu.yield
      }) : () -> ()
      %mul3A_56 = arith.constant 3 : i32
      %mul3A_57 = arith.muli %mul3A_56, %scan3A_22 : i32
      %add3A_58 = arith.constant 2 : i32
      %add3A_59 = arith.addi %mul3A_57, %add3A_58 : i32
      %add3A_60 = arith.constant 3 : i32
      %add3A_61 = arith.addi %add3A_59, %add3A_60 : i32
      %sub3A_62 = arith.constant 1 : i32
      %sub3A_63 = arith.subi %add3A_61, %sub3A_62 : i32
      %lt3A_64 = arith.constant 90 : i32
      %lt3A_65 = arith.cmpi slt, %sub3A_63, %lt3A_64 : i32
      %convert_element_type3A_66 = arith.extui %lt3A_65 : i1 to i32
      %cond3A_67 = arith.constant 0 : i32
      %cond3A_68 = arith.cmpi ne, %convert_element_type3A_66, %cond3A_67 : i32
      scf.if %cond3A_68 {
        %dma_start3A_75 = arith.constant 0 : i32
        %dma_start3A_76 = tpu.memref_slice %arg6[%sub3A_63, %dma_start3A_75] : memref<90x112xi32, #tpu.memory_space<vmem>> -> memref<1x112xi32, #tpu.memory_space<vmem>>
        %dma_start3A_77 = tpu.memref_squeeze %dma_start3A_76 : memref<1x112xi32, #tpu.memory_space<vmem>> -> memref<112xi32, #tpu.memory_space<vmem>>
        %dma_start3A_78 = arith.constant 0 : i32
        %dma_start3A_79 = arith.constant 0 : i32
        %dma_start3A_80 = tpu.memref_slice %arg2[%dma_start3A_78, %dma_start3A_79] : memref<10240x8xf32, #tpu.memory_space<hbm>> -> memref<10240x8xf32, #tpu.memory_space<hbm>>
        tpu.enqueue_indirect_dma source(%dma_start3A_80 : memref<10240x8xf32, #tpu.memory_space<hbm>>) target(%arg9 : memref<112x8xf32, #tpu.memory_space<vmem>>) offsets(%dma_start3A_77 : memref<112xi32, #tpu.memory_space<vmem>>) semaphore(%arg12 : memref<!tpu.dma_semaphore, #tpu.memory_space<semaphore_mem>>)
      } else {
      }
      %dma_wait3A_69 = arith.constant 0 : i32
      %dma_wait3A_70 = tpu.memref_slice %arg6[%add3A_59, %dma_wait3A_69] : memref<90x112xi32, #tpu.memory_space<vmem>> -> memref<1x112xi32, #tpu.memory_space<vmem>>
      %dma_wait3A_71 = tpu.memref_squeeze %dma_wait3A_70 : memref<1x112xi32, #tpu.memory_space<vmem>> -> memref<112xi32, #tpu.memory_space<vmem>>
      %dma_wait3A_72 = arith.constant 0 : i32
      %dma_wait3A_73 = arith.constant 0 : i32
      %dma_wait3A_74 = tpu.memref_slice %arg2[%dma_wait3A_72, %dma_wait3A_73] : memref<10240x8xf32, #tpu.memory_space<hbm>> -> memref<10240x8xf32, #tpu.memory_space<hbm>>
      tpu.wait_indirect_dma semaphore(%arg13 : memref<!tpu.dma_semaphore, #tpu.memory_space<semaphore_mem>>) src(%dma_wait3A_74 : memref<10240x8xf32, #tpu.memory_space<hbm>>) dst(%arg10 : memref<112x8xf32, #tpu.memory_space<vmem>>)
      "tpu.region"() ({
        %run_scoped3A_75 = tpu.sem_alloc : memref<!tpu.dma_semaphore, #tpu.memory_space<semaphore_mem>>
        %dma_start3A_76 = arith.constant 0 : i32
        %dma_start3A_77 = tpu.memref_slice %arg7[%add3A_59, %dma_start3A_76] : memref<90x112xi32, #tpu.memory_space<vmem>> -> memref<1x112xi32, #tpu.memory_space<vmem>>
        %dma_start3A_78 = tpu.memref_squeeze %dma_start3A_77 : memref<1x112xi32, #tpu.memory_space<vmem>> -> memref<112xi32, #tpu.memory_space<vmem>>
        %dma_start3A_79 = arith.constant 0 : i32
        %dma_start3A_80 = arith.constant 0 : i32
        %dma_start3A_81 = tpu.memref_slice %arg5[%dma_start3A_79, %dma_start3A_80] : memref<10240x8xf32, #tpu.memory_space<vmem_shared>> -> memref<10240x8xf32, #tpu.memory_space<vmem_shared>>
        tpu.enqueue_indirect_dma source(%arg10 : memref<112x8xf32, #tpu.memory_space<vmem>>) target(%dma_start3A_81 : memref<10240x8xf32, #tpu.memory_space<vmem_shared>>) offsets(%dma_start3A_78 : memref<112xi32, #tpu.memory_space<vmem>>) semaphore(%run_scoped3A_75 : memref<!tpu.dma_semaphore, #tpu.memory_space<semaphore_mem>>) {add = true}
        %dma_wait3A_82 = arith.constant 0 : i32
        %dma_wait3A_83 = tpu.memref_slice %arg7[%add3A_59, %dma_wait3A_82] : memref<90x112xi32, #tpu.memory_space<vmem>> -> memref<1x112xi32, #tpu.memory_space<vmem>>
        %dma_wait3A_84 = tpu.memref_squeeze %dma_wait3A_83 : memref<1x112xi32, #tpu.memory_space<vmem>> -> memref<112xi32, #tpu.memory_space<vmem>>
        %dma_wait3A_85 = arith.constant 0 : i32
        %dma_wait3A_86 = arith.constant 0 : i32
        %dma_wait3A_87 = tpu.memref_slice %arg5[%dma_wait3A_85, %dma_wait3A_86] : memref<10240x8xf32, #tpu.memory_space<vmem_shared>> -> memref<10240x8xf32, #tpu.memory_space<vmem_shared>>
        tpu.wait_indirect_dma semaphore(%run_scoped3A_75 : memref<!tpu.dma_semaphore, #tpu.memory_space<semaphore_mem>>) src(%arg10 : memref<112x8xf32, #tpu.memory_space<vmem>>) dst(%dma_wait3A_87 : memref<10240x8xf32, #tpu.memory_space<vmem_shared>>)
        tpu.yield
      }) : () -> ()
    }
    %scan3A_20 = arith.constant 30 : i32
    %barrier3A_21 = arith.constant 0 : index
    tpu.barrier barrier_id(%barrier3A_21)
    "tpu.region"() ({
      %run_scoped3A_22 = tpu.sem_alloc : memref<!tpu.dma_semaphore, #tpu.memory_space<semaphore_mem>>
      %dma_start3A_23 = arith.constant 0 : i32
      %dma_start3A_24 = tpu.memref_slice %arg4[%arg0, %mul3A_2, %dma_start3A_23] : memref<2x10240x8xf32, #tpu.memory_space<hbm>> -> memref<1x640x8xf32, #tpu.memory_space<hbm>>
      %dma_start3A_25 = tpu.memref_squeeze %dma_start3A_24 : memref<1x640x8xf32, #tpu.memory_space<hbm>> -> memref<640x8xf32, #tpu.memory_space<hbm>>
      %dma_start3A_26 = arith.constant 0 : i32
      %dma_start3A_27 = tpu.memref_slice %arg5[%mul3A_2, %dma_start3A_26] : memref<10240x8xf32, #tpu.memory_space<vmem_shared>> -> memref<640x8xf32, #tpu.memory_space<vmem_shared>>
      tpu.enqueue_dma source(%dma_start3A_27 : memref<640x8xf32, #tpu.memory_space<vmem_shared>>) target(%dma_start3A_25 : memref<640x8xf32, #tpu.memory_space<hbm>>) target_semaphore(%run_scoped3A_22 : memref<!tpu.dma_semaphore, #tpu.memory_space<semaphore_mem>>)
      %dma_wait3A = arith.constant 0 : i32
      %dma_wait3A_28 = tpu.memref_slice %arg4[%arg0, %mul3A_2, %dma_wait3A] : memref<2x10240x8xf32, #tpu.memory_space<hbm>> -> memref<1x640x8xf32, #tpu.memory_space<hbm>>
      %dma_wait3A_29 = tpu.memref_squeeze %dma_wait3A_28 : memref<1x640x8xf32, #tpu.memory_space<hbm>> -> memref<640x8xf32, #tpu.memory_space<hbm>>
      %dma_wait3A_30 = arith.constant 0 : i32
      %dma_wait3A_31 = tpu.memref_slice %arg5[%mul3A_2, %dma_wait3A_30] : memref<10240x8xf32, #tpu.memory_space<vmem_shared>> -> memref<640x8xf32, #tpu.memory_space<vmem_shared>>
      tpu.wait_dma2 semaphore(%run_scoped3A_22 : memref<!tpu.dma_semaphore, #tpu.memory_space<semaphore_mem>>) src(%dma_wait3A_31 : memref<640x8xf32, #tpu.memory_space<vmem_shared>>) dst(%dma_wait3A_29 : memref<640x8xf32, #tpu.memory_space<hbm>>)
      tpu.yield
    }) : () -> ()
    return
  }
}

#map = affine_map<(d0, d1) -> (0, 0, 0, 0)>
#map1 = affine_map<(d0, d1) -> (0, 0)>
module attributes {stable_mosaic.version = 14 : i64} {
  func.func @_sc_degree_body(%arg0: i32, %arg1: i32, %arg2: memref<2x32x90x112xi32, #tpu.memory_space<hbm>>, %arg3: memref<2x10240xf32, #tpu.memory_space<hbm>>, %arg4: memref<10240xf32, #tpu.memory_space<vmem_shared>>, %arg5: memref<90x112xi32, #tpu.memory_space<vmem>>, %arg6: memref<112xf32, #tpu.memory_space<vmem>>, %arg7: memref<640xf32, #tpu.memory_space<vmem>>) attributes {dimension_semantics = [#tpu.dimension_semantics<core_parallel>, #tpu.dimension_semantics<subcore_parallel>], iteration_bounds = array<i64: 2, 16>, scalar_prefetch = 0 : i64, scratch_operands = 4 : i64, tpu.core_type = #tpu.core_type<sc_vector_subcore>, window_params = [{transform_indices = #map}, {transform_indices = #map1}]} {
    %mul3A = arith.constant 2 : i32
    %mul3A_0 = arith.muli %arg1, %mul3A : i32
    %add3A = arith.addi %mul3A_0, %arg0 : i32
    %broadcast_in_dim3A = arith.constant 1.000000e+00 : f32
    %broadcast_in_dim3A_1 = vector.broadcast %broadcast_in_dim3A : f32 to vector<16xf32>
    %swap3A = arith.constant 0 : index
    %swap3A_2 = tpu.vector_load %arg6[%swap3A] {strides = array<i32>} : memref<112xf32, #tpu.memory_space<vmem>>, vector<16xf32>,
    %swap3A_3 = vector.shape_cast %swap3A_2 : vector<16xf32> to vector<16xf32>
    %swap3A_4 = vector.shape_cast %broadcast_in_dim3A_1 : vector<16xf32> to vector<16xf32>
    tpu.vector_store %arg6[%swap3A], %swap3A_4 {strides = array<i32>} : memref<112xf32, #tpu.memory_space<vmem>>, vector<16xf32>,
    %broadcast_in_dim3A_5 = arith.constant 1.000000e+00 : f32
    %broadcast_in_dim3A_6 = vector.broadcast %broadcast_in_dim3A_5 : f32 to vector<16xf32>
    %swap3A_7 = arith.constant 16 : index
    %swap3A_8 = tpu.vector_load %arg6[%swap3A_7] {strides = array<i32>} : memref<112xf32, #tpu.memory_space<vmem>>, vector<16xf32>,
    %swap3A_9 = vector.shape_cast %swap3A_8 : vector<16xf32> to vector<16xf32>
    %swap3A_10 = vector.shape_cast %broadcast_in_dim3A_6 : vector<16xf32> to vector<16xf32>
    tpu.vector_store %arg6[%swap3A_7], %swap3A_10 {strides = array<i32>} : memref<112xf32, #tpu.memory_space<vmem>>, vector<16xf32>,
    %broadcast_in_dim3A_11 = arith.constant 1.000000e+00 : f32
    %broadcast_in_dim3A_12 = vector.broadcast %broadcast_in_dim3A_11 : f32 to vector<16xf32>
    %swap3A_13 = arith.constant 32 : index
    %swap3A_14 = tpu.vector_load %arg6[%swap3A_13] {strides = array<i32>} : memref<112xf32, #tpu.memory_space<vmem>>, vector<16xf32>,
    %swap3A_15 = vector.shape_cast %swap3A_14 : vector<16xf32> to vector<16xf32>
    %swap3A_16 = vector.shape_cast %broadcast_in_dim3A_12 : vector<16xf32> to vector<16xf32>
    tpu.vector_store %arg6[%swap3A_13], %swap3A_16 {strides = array<i32>} : memref<112xf32, #tpu.memory_space<vmem>>, vector<16xf32>,
    %broadcast_in_dim3A_17 = arith.constant 1.000000e+00 : f32
    %broadcast_in_dim3A_18 = vector.broadcast %broadcast_in_dim3A_17 : f32 to vector<16xf32>
    %swap3A_19 = arith.constant 48 : index
    %swap3A_20 = tpu.vector_load %arg6[%swap3A_19] {strides = array<i32>} : memref<112xf32, #tpu.memory_space<vmem>>, vector<16xf32>,
    %swap3A_21 = vector.shape_cast %swap3A_20 : vector<16xf32> to vector<16xf32>
    %swap3A_22 = vector.shape_cast %broadcast_in_dim3A_18 : vector<16xf32> to vector<16xf32>
    tpu.vector_store %arg6[%swap3A_19], %swap3A_22 {strides = array<i32>} : memref<112xf32, #tpu.memory_space<vmem>>, vector<16xf32>,
    %broadcast_in_dim3A_23 = arith.constant 1.000000e+00 : f32
    %broadcast_in_dim3A_24 = vector.broadcast %broadcast_in_dim3A_23 : f32 to vector<16xf32>
    %swap3A_25 = arith.constant 64 : index
    %swap3A_26 = tpu.vector_load %arg6[%swap3A_25] {strides = array<i32>} : memref<112xf32, #tpu.memory_space<vmem>>, vector<16xf32>,
    %swap3A_27 = vector.shape_cast %swap3A_26 : vector<16xf32> to vector<16xf32>
    %swap3A_28 = vector.shape_cast %broadcast_in_dim3A_24 : vector<16xf32> to vector<16xf32>
    tpu.vector_store %arg6[%swap3A_25], %swap3A_28 {strides = array<i32>} : memref<112xf32, #tpu.memory_space<vmem>>, vector<16xf32>,
    %broadcast_in_dim3A_29 = arith.constant 1.000000e+00 : f32
    %broadcast_in_dim3A_30 = vector.broadcast %broadcast_in_dim3A_29 : f32 to vector<16xf32>
    %swap3A_31 = arith.constant 80 : index
    %swap3A_32 = tpu.vector_load %arg6[%swap3A_31] {strides = array<i32>} : memref<112xf32, #tpu.memory_space<vmem>>, vector<16xf32>,
    %swap3A_33 = vector.shape_cast %swap3A_32 : vector<16xf32> to vector<16xf32>
    %swap3A_34 = vector.shape_cast %broadcast_in_dim3A_30 : vector<16xf32> to vector<16xf32>
    tpu.vector_store %arg6[%swap3A_31], %swap3A_34 {strides = array<i32>} : memref<112xf32, #tpu.memory_space<vmem>>, vector<16xf32>,
    %broadcast_in_dim3A_35 = arith.constant 1.000000e+00 : f32
    %broadcast_in_dim3A_36 = vector.broadcast %broadcast_in_dim3A_35 : f32 to vector<16xf32>
    %swap3A_37 = arith.constant 96 : index
    %swap3A_38 = tpu.vector_load %arg6[%swap3A_37] {strides = array<i32>} : memref<112xf32, #tpu.memory_space<vmem>>, vector<16xf32>,
    %swap3A_39 = vector.shape_cast %swap3A_38 : vector<16xf32> to vector<16xf32>
    %swap3A_40 = vector.shape_cast %broadcast_in_dim3A_36 : vector<16xf32> to vector<16xf32>
    tpu.vector_store %arg6[%swap3A_37], %swap3A_40 {strides = array<i32>} : memref<112xf32, #tpu.memory_space<vmem>>, vector<16xf32>,
    %broadcast_in_dim3A_41 = arith.constant 0.000000e+00 : f32
    %broadcast_in_dim3A_42 = vector.broadcast %broadcast_in_dim3A_41 : f32 to vector<16xf32>
    %swap3A_43 = arith.constant 0 : index
    %swap3A_44 = tpu.vector_load %arg7[%swap3A_43] {strides = array<i32>} : memref<640xf32, #tpu.memory_space<vmem>>, vector<16xf32>,
    %swap3A_45 = vector.shape_cast %swap3A_44 : vector<16xf32> to vector<16xf32>
    %swap3A_46 = vector.shape_cast %broadcast_in_dim3A_42 : vector<16xf32> to vector<16xf32>
    tpu.vector_store %arg7[%swap3A_43], %swap3A_46 {strides = array<i32>} : memref<640xf32, #tpu.memory_space<vmem>>, vector<16xf32>,
    %broadcast_in_dim3A_47 = arith.constant 0.000000e+00 : f32
    %broadcast_in_dim3A_48 = vector.broadcast %broadcast_in_dim3A_47 : f32 to vector<16xf32>
    %swap3A_49 = arith.constant 16 : index
    %swap3A_50 = tpu.vector_load %arg7[%swap3A_49] {strides = array<i32>} : memref<640xf32, #tpu.memory_space<vmem>>, vector<16xf32>,
    %swap3A_51 = vector.shape_cast %swap3A_50 : vector<16xf32> to vector<16xf32>
    %swap3A_52 = vector.shape_cast %broadcast_in_dim3A_48 : vector<16xf32> to vector<16xf32>
    tpu.vector_store %arg7[%swap3A_49], %swap3A_52 {strides = array<i32>} : memref<640xf32, #tpu.memory_space<vmem>>, vector<16xf32>,
    %broadcast_in_dim3A_53 = arith.constant 0.000000e+00 : f32
    %broadcast_in_dim3A_54 = vector.broadcast %broadcast_in_dim3A_53 : f32 to vector<16xf32>
    %swap3A_55 = arith.constant 32 : index
    %swap3A_56 = tpu.vector_load %arg7[%swap3A_55] {strides = array<i32>} : memref<640xf32, #tpu.memory_space<vmem>>, vector<16xf32>,
    %swap3A_57 = vector.shape_cast %swap3A_56 : vector<16xf32> to vector<16xf32>
    %swap3A_58 = vector.shape_cast %broadcast_in_dim3A_54 : vector<16xf32> to vector<16xf32>
    tpu.vector_store %arg7[%swap3A_55], %swap3A_58 {strides = array<i32>} : memref<640xf32, #tpu.memory_space<vmem>>, vector<16xf32>,
    %broadcast_in_dim3A_59 = arith.constant 0.000000e+00 : f32
    %broadcast_in_dim3A_60 = vector.broadcast %broadcast_in_dim3A_59 : f32 to vector<16xf32>
    %swap3A_61 = arith.constant 48 : index
    %swap3A_62 = tpu.vector_load %arg7[%swap3A_61] {strides = array<i32>} : memref<640xf32, #tpu.memory_space<vmem>>, vector<16xf32>,
    %swap3A_63 = vector.shape_cast %swap3A_62 : vector<16xf32> to vector<16xf32>
    %swap3A_64 = vector.shape_cast %broadcast_in_dim3A_60 : vector<16xf32> to vector<16xf32>
    tpu.vector_store %arg7[%swap3A_61], %swap3A_64 {strides = array<i32>} : memref<640xf32, #tpu.memory_space<vmem>>, vector<16xf32>,
    %broadcast_in_dim3A_65 = arith.constant 0.000000e+00 : f32
    %broadcast_in_dim3A_66 = vector.broadcast %broadcast_in_dim3A_65 : f32 to vector<16xf32>
    %swap3A_67 = arith.constant 64 : index
    %swap3A_68 = tpu.vector_load %arg7[%swap3A_67] {strides = array<i32>} : memref<640xf32, #tpu.memory_space<vmem>>, vector<16xf32>,
    %swap3A_69 = vector.shape_cast %swap3A_68 : vector<16xf32> to vector<16xf32>
    %swap3A_70 = vector.shape_cast %broadcast_in_dim3A_66 : vector<16xf32> to vector<16xf32>
    tpu.vector_store %arg7[%swap3A_67], %swap3A_70 {strides = array<i32>} : memref<640xf32, #tpu.memory_space<vmem>>, vector<16xf32>,
    %broadcast_in_dim3A_71 = arith.constant 0.000000e+00 : f32
    %broadcast_in_dim3A_72 = vector.broadcast %broadcast_in_dim3A_71 : f32 to vector<16xf32>
    %swap3A_73 = arith.constant 80 : index
    %swap3A_74 = tpu.vector_load %arg7[%swap3A_73] {strides = array<i32>} : memref<640xf32, #tpu.memory_space<vmem>>, vector<16xf32>,
    %swap3A_75 = vector.shape_cast %swap3A_74 : vector<16xf32> to vector<16xf32>
    %swap3A_76 = vector.shape_cast %broadcast_in_dim3A_72 : vector<16xf32> to vector<16xf32>
    tpu.vector_store %arg7[%swap3A_73], %swap3A_76 {strides = array<i32>} : memref<640xf32, #tpu.memory_space<vmem>>, vector<16xf32>,
    %broadcast_in_dim3A_77 = arith.constant 0.000000e+00 : f32
    %broadcast_in_dim3A_78 = vector.broadcast %broadcast_in_dim3A_77 : f32 to vector<16xf32>
    %swap3A_79 = arith.constant 96 : index
    %swap3A_80 = tpu.vector_load %arg7[%swap3A_79] {strides = array<i32>} : memref<640xf32, #tpu.memory_space<vmem>>, vector<16xf32>,
    %swap3A_81 = vector.shape_cast %swap3A_80 : vector<16xf32> to vector<16xf32>
    %swap3A_82 = vector.shape_cast %broadcast_in_dim3A_78 : vector<16xf32> to vector<16xf32>
    tpu.vector_store %arg7[%swap3A_79], %swap3A_82 {strides = array<i32>} : memref<640xf32, #tpu.memory_space<vmem>>, vector<16xf32>,
    %broadcast_in_dim3A_83 = arith.constant 0.000000e+00 : f32
    %broadcast_in_dim3A_84 = vector.broadcast %broadcast_in_dim3A_83 : f32 to vector<16xf32>
    %swap3A_85 = arith.constant 112 : index
    %swap3A_86 = tpu.vector_load %arg7[%swap3A_85] {strides = array<i32>} : memref<640xf32, #tpu.memory_space<vmem>>, vector<16xf32>,
    %swap3A_87 = vector.shape_cast %swap3A_86 : vector<16xf32> to vector<16xf32>
    %swap3A_88 = vector.shape_cast %broadcast_in_dim3A_84 : vector<16xf32> to vector<16xf32>
    tpu.vector_store %arg7[%swap3A_85], %swap3A_88 {strides = array<i32>} : memref<640xf32, #tpu.memory_space<vmem>>, vector<16xf32>,
    %broadcast_in_dim3A_89 = arith.constant 0.000000e+00 : f32
    %broadcast_in_dim3A_90 = vector.broadcast %broadcast_in_dim3A_89 : f32 to vector<16xf32>
    %swap3A_91 = arith.constant 128 : index
    %swap3A_92 = tpu.vector_load %arg7[%swap3A_91] {strides = array<i32>} : memref<640xf32, #tpu.memory_space<vmem>>, vector<16xf32>,
    %swap3A_93 = vector.shape_cast %swap3A_92 : vector<16xf32> to vector<16xf32>
    %swap3A_94 = vector.shape_cast %broadcast_in_dim3A_90 : vector<16xf32> to vector<16xf32>
    tpu.vector_store %arg7[%swap3A_91], %swap3A_94 {strides = array<i32>} : memref<640xf32, #tpu.memory_space<vmem>>, vector<16xf32>,
    %broadcast_in_dim3A_95 = arith.constant 0.000000e+00 : f32
    %broadcast_in_dim3A_96 = vector.broadcast %broadcast_in_dim3A_95 : f32 to vector<16xf32>
    %swap3A_97 = arith.constant 144 : index
    %swap3A_98 = tpu.vector_load %arg7[%swap3A_97] {strides = array<i32>} : memref<640xf32, #tpu.memory_space<vmem>>, vector<16xf32>,
    %swap3A_99 = vector.shape_cast %swap3A_98 : vector<16xf32> to vector<16xf32>
    %swap3A_100 = vector.shape_cast %broadcast_in_dim3A_96 : vector<16xf32> to vector<16xf32>
    tpu.vector_store %arg7[%swap3A_97], %swap3A_100 {strides = array<i32>} : memref<640xf32, #tpu.memory_space<vmem>>, vector<16xf32>,
    %broadcast_in_dim3A_101 = arith.constant 0.000000e+00 : f32
    %broadcast_in_dim3A_102 = vector.broadcast %broadcast_in_dim3A_101 : f32 to vector<16xf32>
    %swap3A_103 = arith.constant 160 : index
    %swap3A_104 = tpu.vector_load %arg7[%swap3A_103] {strides = array<i32>} : memref<640xf32, #tpu.memory_space<vmem>>, vector<16xf32>,
    %swap3A_105 = vector.shape_cast %swap3A_104 : vector<16xf32> to vector<16xf32>
    %swap3A_106 = vector.shape_cast %broadcast_in_dim3A_102 : vector<16xf32> to vector<16xf32>
    tpu.vector_store %arg7[%swap3A_103], %swap3A_106 {strides = array<i32>} : memref<640xf32, #tpu.memory_space<vmem>>, vector<16xf32>,
    %broadcast_in_dim3A_107 = arith.constant 0.000000e+00 : f32
    %broadcast_in_dim3A_108 = vector.broadcast %broadcast_in_dim3A_107 : f32 to vector<16xf32>
    %swap3A_109 = arith.constant 176 : index
    %swap3A_110 = tpu.vector_load %arg7[%swap3A_109] {strides = array<i32>} : memref<640xf32, #tpu.memory_space<vmem>>, vector<16xf32>,
    %swap3A_111 = vector.shape_cast %swap3A_110 : vector<16xf32> to vector<16xf32>
    %swap3A_112 = vector.shape_cast %broadcast_in_dim3A_108 : vector<16xf32> to vector<16xf32>
    tpu.vector_store %arg7[%swap3A_109], %swap3A_112 {strides = array<i32>} : memref<640xf32, #tpu.memory_space<vmem>>, vector<16xf32>,
    %broadcast_in_dim3A_113 = arith.constant 0.000000e+00 : f32
    %broadcast_in_dim3A_114 = vector.broadcast %broadcast_in_dim3A_113 : f32 to vector<16xf32>
    %swap3A_115 = arith.constant 192 : index
    %swap3A_116 = tpu.vector_load %arg7[%swap3A_115] {strides = array<i32>} : memref<640xf32, #tpu.memory_space<vmem>>, vector<16xf32>,
    %swap3A_117 = vector.shape_cast %swap3A_116 : vector<16xf32> to vector<16xf32>
    %swap3A_118 = vector.shape_cast %broadcast_in_dim3A_114 : vector<16xf32> to vector<16xf32>
    tpu.vector_store %arg7[%swap3A_115], %swap3A_118 {strides = array<i32>} : memref<640xf32, #tpu.memory_space<vmem>>, vector<16xf32>,
    %broadcast_in_dim3A_119 = arith.constant 0.000000e+00 : f32
    %broadcast_in_dim3A_120 = vector.broadcast %broadcast_in_dim3A_119 : f32 to vector<16xf32>
    %swap3A_121 = arith.constant 208 : index
    %swap3A_122 = tpu.vector_load %arg7[%swap3A_121] {strides = array<i32>} : memref<640xf32, #tpu.memory_space<vmem>>, vector<16xf32>,
    %swap3A_123 = vector.shape_cast %swap3A_122 : vector<16xf32> to vector<16xf32>
    %swap3A_124 = vector.shape_cast %broadcast_in_dim3A_120 : vector<16xf32> to vector<16xf32>
    tpu.vector_store %arg7[%swap3A_121], %swap3A_124 {strides = array<i32>} : memref<640xf32, #tpu.memory_space<vmem>>, vector<16xf32>,
    %broadcast_in_dim3A_125 = arith.constant 0.000000e+00 : f32
    %broadcast_in_dim3A_126 = vector.broadcast %broadcast_in_dim3A_125 : f32 to vector<16xf32>
    %swap3A_127 = arith.constant 224 : index
    %swap3A_128 = tpu.vector_load %arg7[%swap3A_127] {strides = array<i32>} : memref<640xf32, #tpu.memory_space<vmem>>, vector<16xf32>,
    %swap3A_129 = vector.shape_cast %swap3A_128 : vector<16xf32> to vector<16xf32>
    %swap3A_130 = vector.shape_cast %broadcast_in_dim3A_126 : vector<16xf32> to vector<16xf32>
    tpu.vector_store %arg7[%swap3A_127], %swap3A_130 {strides = array<i32>} : memref<640xf32, #tpu.memory_space<vmem>>, vector<16xf32>,
    %broadcast_in_dim3A_131 = arith.constant 0.000000e+00 : f32
    %broadcast_in_dim3A_132 = vector.broadcast %broadcast_in_dim3A_131 : f32 to vector<16xf32>
    %swap3A_133 = arith.constant 240 : index
    %swap3A_134 = tpu.vector_load %arg7[%swap3A_133] {strides = array<i32>} : memref<640xf32, #tpu.memory_space<vmem>>, vector<16xf32>,
    %swap3A_135 = vector.shape_cast %swap3A_134 : vector<16xf32> to vector<16xf32>
    %swap3A_136 = vector.shape_cast %broadcast_in_dim3A_132 : vector<16xf32> to vector<16xf32>
    tpu.vector_store %arg7[%swap3A_133], %swap3A_136 {strides = array<i32>} : memref<640xf32, #tpu.memory_space<vmem>>, vector<16xf32>,
    %broadcast_in_dim3A_137 = arith.constant 0.000000e+00 : f32
    %broadcast_in_dim3A_138 = vector.broadcast %broadcast_in_dim3A_137 : f32 to vector<16xf32>
    %swap3A_139 = arith.constant 256 : index
    %swap3A_140 = tpu.vector_load %arg7[%swap3A_139] {strides = array<i32>} : memref<640xf32, #tpu.memory_space<vmem>>, vector<16xf32>,
    %swap3A_141 = vector.shape_cast %swap3A_140 : vector<16xf32> to vector<16xf32>
    %swap3A_142 = vector.shape_cast %broadcast_in_dim3A_138 : vector<16xf32> to vector<16xf32>
    tpu.vector_store %arg7[%swap3A_139], %swap3A_142 {strides = array<i32>} : memref<640xf32, #tpu.memory_space<vmem>>, vector<16xf32>,
    %broadcast_in_dim3A_143 = arith.constant 0.000000e+00 : f32
    %broadcast_in_dim3A_144 = vector.broadcast %broadcast_in_dim3A_143 : f32 to vector<16xf32>
    %swap3A_145 = arith.constant 272 : index
    %swap3A_146 = tpu.vector_load %arg7[%swap3A_145] {strides = array<i32>} : memref<640xf32, #tpu.memory_space<vmem>>, vector<16xf32>,
    %swap3A_147 = vector.shape_cast %swap3A_146 : vector<16xf32> to vector<16xf32>
    %swap3A_148 = vector.shape_cast %broadcast_in_dim3A_144 : vector<16xf32> to vector<16xf32>
    tpu.vector_store %arg7[%swap3A_145], %swap3A_148 {strides = array<i32>} : memref<640xf32, #tpu.memory_space<vmem>>, vector<16xf32>,
    %broadcast_in_dim3A_149 = arith.constant 0.000000e+00 : f32
    %broadcast_in_dim3A_150 = vector.broadcast %broadcast_in_dim3A_149 : f32 to vector<16xf32>
    %swap3A_151 = arith.constant 288 : index
    %swap3A_152 = tpu.vector_load %arg7[%swap3A_151] {strides = array<i32>} : memref<640xf32, #tpu.memory_space<vmem>>, vector<16xf32>,
    %swap3A_153 = vector.shape_cast %swap3A_152 : vector<16xf32> to vector<16xf32>
    %swap3A_154 = vector.shape_cast %broadcast_in_dim3A_150 : vector<16xf32> to vector<16xf32>
    tpu.vector_store %arg7[%swap3A_151], %swap3A_154 {strides = array<i32>} : memref<640xf32, #tpu.memory_space<vmem>>, vector<16xf32>,
    %broadcast_in_dim3A_155 = arith.constant 0.000000e+00 : f32
    %broadcast_in_dim3A_156 = vector.broadcast %broadcast_in_dim3A_155 : f32 to vector<16xf32>
    %swap3A_157 = arith.constant 304 : index
    %swap3A_158 = tpu.vector_load %arg7[%swap3A_157] {strides = array<i32>} : memref<640xf32, #tpu.memory_space<vmem>>, vector<16xf32>,
    %swap3A_159 = vector.shape_cast %swap3A_158 : vector<16xf32> to vector<16xf32>
    %swap3A_160 = vector.shape_cast %broadcast_in_dim3A_156 : vector<16xf32> to vector<16xf32>
    tpu.vector_store %arg7[%swap3A_157], %swap3A_160 {strides = array<i32>} : memref<640xf32, #tpu.memory_space<vmem>>, vector<16xf32>,
    %broadcast_in_dim3A_161 = arith.constant 0.000000e+00 : f32
    %broadcast_in_dim3A_162 = vector.broadcast %broadcast_in_dim3A_161 : f32 to vector<16xf32>
    %swap3A_163 = arith.constant 320 : index
    %swap3A_164 = tpu.vector_load %arg7[%swap3A_163] {strides = array<i32>} : memref<640xf32, #tpu.memory_space<vmem>>, vector<16xf32>,
    %swap3A_165 = vector.shape_cast %swap3A_164 : vector<16xf32> to vector<16xf32>
    %swap3A_166 = vector.shape_cast %broadcast_in_dim3A_162 : vector<16xf32> to vector<16xf32>
    tpu.vector_store %arg7[%swap3A_163], %swap3A_166 {strides = array<i32>} : memref<640xf32, #tpu.memory_space<vmem>>, vector<16xf32>,
    %broadcast_in_dim3A_167 = arith.constant 0.000000e+00 : f32
    %broadcast_in_dim3A_168 = vector.broadcast %broadcast_in_dim3A_167 : f32 to vector<16xf32>
    %swap3A_169 = arith.constant 336 : index
    %swap3A_170 = tpu.vector_load %arg7[%swap3A_169] {strides = array<i32>} : memref<640xf32, #tpu.memory_space<vmem>>, vector<16xf32>,
    %swap3A_171 = vector.shape_cast %swap3A_170 : vector<16xf32> to vector<16xf32>
    %swap3A_172 = vector.shape_cast %broadcast_in_dim3A_168 : vector<16xf32> to vector<16xf32>
    tpu.vector_store %arg7[%swap3A_169], %swap3A_172 {strides = array<i32>} : memref<640xf32, #tpu.memory_space<vmem>>, vector<16xf32>,
    %broadcast_in_dim3A_173 = arith.constant 0.000000e+00 : f32
    %broadcast_in_dim3A_174 = vector.broadcast %broadcast_in_dim3A_173 : f32 to vector<16xf32>
    %swap3A_175 = arith.constant 352 : index
    %swap3A_176 = tpu.vector_load %arg7[%swap3A_175] {strides = array<i32>} : memref<640xf32, #tpu.memory_space<vmem>>, vector<16xf32>,
    %swap3A_177 = vector.shape_cast %swap3A_176 : vector<16xf32> to vector<16xf32>
    %swap3A_178 = vector.shape_cast %broadcast_in_dim3A_174 : vector<16xf32> to vector<16xf32>
    tpu.vector_store %arg7[%swap3A_175], %swap3A_178 {strides = array<i32>} : memref<640xf32, #tpu.memory_space<vmem>>, vector<16xf32>,
    %broadcast_in_dim3A_179 = arith.constant 0.000000e+00 : f32
    %broadcast_in_dim3A_180 = vector.broadcast %broadcast_in_dim3A_179 : f32 to vector<16xf32>
    %swap3A_181 = arith.constant 368 : index
    %swap3A_182 = tpu.vector_load %arg7[%swap3A_181] {strides = array<i32>} : memref<640xf32, #tpu.memory_space<vmem>>, vector<16xf32>,
    %swap3A_183 = vector.shape_cast %swap3A_182 : vector<16xf32> to vector<16xf32>
    %swap3A_184 = vector.shape_cast %broadcast_in_dim3A_180 : vector<16xf32> to vector<16xf32>
    tpu.vector_store %arg7[%swap3A_181], %swap3A_184 {strides = array<i32>} : memref<640xf32, #tpu.memory_space<vmem>>, vector<16xf32>,
    %broadcast_in_dim3A_185 = arith.constant 0.000000e+00 : f32
    %broadcast_in_dim3A_186 = vector.broadcast %broadcast_in_dim3A_185 : f32 to vector<16xf32>
    %swap3A_187 = arith.constant 384 : index
    %swap3A_188 = tpu.vector_load %arg7[%swap3A_187] {strides = array<i32>} : memref<640xf32, #tpu.memory_space<vmem>>, vector<16xf32>,
    %swap3A_189 = vector.shape_cast %swap3A_188 : vector<16xf32> to vector<16xf32>
    %swap3A_190 = vector.shape_cast %broadcast_in_dim3A_186 : vector<16xf32> to vector<16xf32>
    tpu.vector_store %arg7[%swap3A_187], %swap3A_190 {strides = array<i32>} : memref<640xf32, #tpu.memory_space<vmem>>, vector<16xf32>,
    %broadcast_in_dim3A_191 = arith.constant 0.000000e+00 : f32
    %broadcast_in_dim3A_192 = vector.broadcast %broadcast_in_dim3A_191 : f32 to vector<16xf32>
    %swap3A_193 = arith.constant 400 : index
    %swap3A_194 = tpu.vector_load %arg7[%swap3A_193] {strides = array<i32>} : memref<640xf32, #tpu.memory_space<vmem>>, vector<16xf32>,
    %swap3A_195 = vector.shape_cast %swap3A_194 : vector<16xf32> to vector<16xf32>
    %swap3A_196 = vector.shape_cast %broadcast_in_dim3A_192 : vector<16xf32> to vector<16xf32>
    tpu.vector_store %arg7[%swap3A_193], %swap3A_196 {strides = array<i32>} : memref<640xf32, #tpu.memory_space<vmem>>, vector<16xf32>,
    %broadcast_in_dim3A_197 = arith.constant 0.000000e+00 : f32
    %broadcast_in_dim3A_198 = vector.broadcast %broadcast_in_dim3A_197 : f32 to vector<16xf32>
    %swap3A_199 = arith.constant 416 : index
    %swap3A_200 = tpu.vector_load %arg7[%swap3A_199] {strides = array<i32>} : memref<640xf32, #tpu.memory_space<vmem>>, vector<16xf32>,
    %swap3A_201 = vector.shape_cast %swap3A_200 : vector<16xf32> to vector<16xf32>
    %swap3A_202 = vector.shape_cast %broadcast_in_dim3A_198 : vector<16xf32> to vector<16xf32>
    tpu.vector_store %arg7[%swap3A_199], %swap3A_202 {strides = array<i32>} : memref<640xf32, #tpu.memory_space<vmem>>, vector<16xf32>,
    %broadcast_in_dim3A_203 = arith.constant 0.000000e+00 : f32
    %broadcast_in_dim3A_204 = vector.broadcast %broadcast_in_dim3A_203 : f32 to vector<16xf32>
    %swap3A_205 = arith.constant 432 : index
    %swap3A_206 = tpu.vector_load %arg7[%swap3A_205] {strides = array<i32>} : memref<640xf32, #tpu.memory_space<vmem>>, vector<16xf32>,
    %swap3A_207 = vector.shape_cast %swap3A_206 : vector<16xf32> to vector<16xf32>
    %swap3A_208 = vector.shape_cast %broadcast_in_dim3A_204 : vector<16xf32> to vector<16xf32>
    tpu.vector_store %arg7[%swap3A_205], %swap3A_208 {strides = array<i32>} : memref<640xf32, #tpu.memory_space<vmem>>, vector<16xf32>,
    %broadcast_in_dim3A_209 = arith.constant 0.000000e+00 : f32
    %broadcast_in_dim3A_210 = vector.broadcast %broadcast_in_dim3A_209 : f32 to vector<16xf32>
    %swap3A_211 = arith.constant 448 : index
    %swap3A_212 = tpu.vector_load %arg7[%swap3A_211] {strides = array<i32>} : memref<640xf32, #tpu.memory_space<vmem>>, vector<16xf32>,
    %swap3A_213 = vector.shape_cast %swap3A_212 : vector<16xf32> to vector<16xf32>
    %swap3A_214 = vector.shape_cast %broadcast_in_dim3A_210 : vector<16xf32> to vector<16xf32>
    tpu.vector_store %arg7[%swap3A_211], %swap3A_214 {strides = array<i32>} : memref<640xf32, #tpu.memory_space<vmem>>, vector<16xf32>,
    %broadcast_in_dim3A_215 = arith.constant 0.000000e+00 : f32
    %broadcast_in_dim3A_216 = vector.broadcast %broadcast_in_dim3A_215 : f32 to vector<16xf32>
    %swap3A_217 = arith.constant 464 : index
    %swap3A_218 = tpu.vector_load %arg7[%swap3A_217] {strides = array<i32>} : memref<640xf32, #tpu.memory_space<vmem>>, vector<16xf32>,
    %swap3A_219 = vector.shape_cast %swap3A_218 : vector<16xf32> to vector<16xf32>
    %swap3A_220 = vector.shape_cast %broadcast_in_dim3A_216 : vector<16xf32> to vector<16xf32>
    tpu.vector_store %arg7[%swap3A_217], %swap3A_220 {strides = array<i32>} : memref<640xf32, #tpu.memory_space<vmem>>, vector<16xf32>,
    %broadcast_in_dim3A_221 = arith.constant 0.000000e+00 : f32
    %broadcast_in_dim3A_222 = vector.broadcast %broadcast_in_dim3A_221 : f32 to vector<16xf32>
    %swap3A_223 = arith.constant 480 : index
    %swap3A_224 = tpu.vector_load %arg7[%swap3A_223] {strides = array<i32>} : memref<640xf32, #tpu.memory_space<vmem>>, vector<16xf32>,
    %swap3A_225 = vector.shape_cast %swap3A_224 : vector<16xf32> to vector<16xf32>
    %swap3A_226 = vector.shape_cast %broadcast_in_dim3A_222 : vector<16xf32> to vector<16xf32>
    tpu.vector_store %arg7[%swap3A_223], %swap3A_226 {strides = array<i32>} : memref<640xf32, #tpu.memory_space<vmem>>, vector<16xf32>,
    %broadcast_in_dim3A_227 = arith.constant 0.000000e+00 : f32
    %broadcast_in_dim3A_228 = vector.broadcast %broadcast_in_dim3A_227 : f32 to vector<16xf32>
    %swap3A_229 = arith.constant 496 : index
    %swap3A_230 = tpu.vector_load %arg7[%swap3A_229] {strides = array<i32>} : memref<640xf32, #tpu.memory_space<vmem>>, vector<16xf32>,
    %swap3A_231 = vector.shape_cast %swap3A_230 : vector<16xf32> to vector<16xf32>
    %swap3A_232 = vector.shape_cast %broadcast_in_dim3A_228 : vector<16xf32> to vector<16xf32>
    tpu.vector_store %arg7[%swap3A_229], %swap3A_232 {strides = array<i32>} : memref<640xf32, #tpu.memory_space<vmem>>, vector<16xf32>,
    %broadcast_in_dim3A_233 = arith.constant 0.000000e+00 : f32
    %broadcast_in_dim3A_234 = vector.broadcast %broadcast_in_dim3A_233 : f32 to vector<16xf32>
    %swap3A_235 = arith.constant 512 : index
    %swap3A_236 = tpu.vector_load %arg7[%swap3A_235] {strides = array<i32>} : memref<640xf32, #tpu.memory_space<vmem>>, vector<16xf32>,
    %swap3A_237 = vector.shape_cast %swap3A_236 : vector<16xf32> to vector<16xf32>
    %swap3A_238 = vector.shape_cast %broadcast_in_dim3A_234 : vector<16xf32> to vector<16xf32>
    tpu.vector_store %arg7[%swap3A_235], %swap3A_238 {strides = array<i32>} : memref<640xf32, #tpu.memory_space<vmem>>, vector<16xf32>,
    %broadcast_in_dim3A_239 = arith.constant 0.000000e+00 : f32
    %broadcast_in_dim3A_240 = vector.broadcast %broadcast_in_dim3A_239 : f32 to vector<16xf32>
    %swap3A_241 = arith.constant 528 : index
    %swap3A_242 = tpu.vector_load %arg7[%swap3A_241] {strides = array<i32>} : memref<640xf32, #tpu.memory_space<vmem>>, vector<16xf32>,
    %swap3A_243 = vector.shape_cast %swap3A_242 : vector<16xf32> to vector<16xf32>
    %swap3A_244 = vector.shape_cast %broadcast_in_dim3A_240 : vector<16xf32> to vector<16xf32>
    tpu.vector_store %arg7[%swap3A_241], %swap3A_244 {strides = array<i32>} : memref<640xf32, #tpu.memory_space<vmem>>, vector<16xf32>,
    %broadcast_in_dim3A_245 = arith.constant 0.000000e+00 : f32
    %broadcast_in_dim3A_246 = vector.broadcast %broadcast_in_dim3A_245 : f32 to vector<16xf32>
    %swap3A_247 = arith.constant 544 : index
    %swap3A_248 = tpu.vector_load %arg7[%swap3A_247] {strides = array<i32>} : memref<640xf32, #tpu.memory_space<vmem>>, vector<16xf32>,
    %swap3A_249 = vector.shape_cast %swap3A_248 : vector<16xf32> to vector<16xf32>
    %swap3A_250 = vector.shape_cast %broadcast_in_dim3A_246 : vector<16xf32> to vector<16xf32>
    tpu.vector_store %arg7[%swap3A_247], %swap3A_250 {strides = array<i32>} : memref<640xf32, #tpu.memory_space<vmem>>, vector<16xf32>,
    %broadcast_in_dim3A_251 = arith.constant 0.000000e+00 : f32
    %broadcast_in_dim3A_252 = vector.broadcast %broadcast_in_dim3A_251 : f32 to vector<16xf32>
    %swap3A_253 = arith.constant 560 : index
    %swap3A_254 = tpu.vector_load %arg7[%swap3A_253] {strides = array<i32>} : memref<640xf32, #tpu.memory_space<vmem>>, vector<16xf32>,
    %swap3A_255 = vector.shape_cast %swap3A_254 : vector<16xf32> to vector<16xf32>
    %swap3A_256 = vector.shape_cast %broadcast_in_dim3A_252 : vector<16xf32> to vector<16xf32>
    tpu.vector_store %arg7[%swap3A_253], %swap3A_256 {strides = array<i32>} : memref<640xf32, #tpu.memory_space<vmem>>, vector<16xf32>,
    %broadcast_in_dim3A_257 = arith.constant 0.000000e+00 : f32
    %broadcast_in_dim3A_258 = vector.broadcast %broadcast_in_dim3A_257 : f32 to vector<16xf32>
    %swap3A_259 = arith.constant 576 : index
    %swap3A_260 = tpu.vector_load %arg7[%swap3A_259] {strides = array<i32>} : memref<640xf32, #tpu.memory_space<vmem>>, vector<16xf32>,
    %swap3A_261 = vector.shape_cast %swap3A_260 : vector<16xf32> to vector<16xf32>
    %swap3A_262 = vector.shape_cast %broadcast_in_dim3A_258 : vector<16xf32> to vector<16xf32>
    tpu.vector_store %arg7[%swap3A_259], %swap3A_262 {strides = array<i32>} : memref<640xf32, #tpu.memory_space<vmem>>, vector<16xf32>,
    %broadcast_in_dim3A_263 = arith.constant 0.000000e+00 : f32
    %broadcast_in_dim3A_264 = vector.broadcast %broadcast_in_dim3A_263 : f32 to vector<16xf32>
    %swap3A_265 = arith.constant 592 : index
    %swap3A_266 = tpu.vector_load %arg7[%swap3A_265] {strides = array<i32>} : memref<640xf32, #tpu.memory_space<vmem>>, vector<16xf32>,
    %swap3A_267 = vector.shape_cast %swap3A_266 : vector<16xf32> to vector<16xf32>
    %swap3A_268 = vector.shape_cast %broadcast_in_dim3A_264 : vector<16xf32> to vector<16xf32>
    tpu.vector_store %arg7[%swap3A_265], %swap3A_268 {strides = array<i32>} : memref<640xf32, #tpu.memory_space<vmem>>, vector<16xf32>,
    %broadcast_in_dim3A_269 = arith.constant 0.000000e+00 : f32
    %broadcast_in_dim3A_270 = vector.broadcast %broadcast_in_dim3A_269 : f32 to vector<16xf32>
    %swap3A_271 = arith.constant 608 : index
    %swap3A_272 = tpu.vector_load %arg7[%swap3A_271] {strides = array<i32>} : memref<640xf32, #tpu.memory_space<vmem>>, vector<16xf32>,
    %swap3A_273 = vector.shape_cast %swap3A_272 : vector<16xf32> to vector<16xf32>
    %swap3A_274 = vector.shape_cast %broadcast_in_dim3A_270 : vector<16xf32> to vector<16xf32>
    tpu.vector_store %arg7[%swap3A_271], %swap3A_274 {strides = array<i32>} : memref<640xf32, #tpu.memory_space<vmem>>, vector<16xf32>,
    %broadcast_in_dim3A_275 = arith.constant 0.000000e+00 : f32
    %broadcast_in_dim3A_276 = vector.broadcast %broadcast_in_dim3A_275 : f32 to vector<16xf32>
    %swap3A_277 = arith.constant 624 : index
    %swap3A_278 = tpu.vector_load %arg7[%swap3A_277] {strides = array<i32>} : memref<640xf32, #tpu.memory_space<vmem>>, vector<16xf32>,
    %swap3A_279 = vector.shape_cast %swap3A_278 : vector<16xf32> to vector<16xf32>
    %swap3A_280 = vector.shape_cast %broadcast_in_dim3A_276 : vector<16xf32> to vector<16xf32>
    tpu.vector_store %arg7[%swap3A_277], %swap3A_280 {strides = array<i32>} : memref<640xf32, #tpu.memory_space<vmem>>, vector<16xf32>,
    %mul3A_281 = arith.constant 640 : i32
    %mul3A_282 = arith.muli %arg1, %mul3A_281 : i32
    "tpu.region"() ({
      %run_scoped3A_292 = tpu.sem_alloc : memref<!tpu.dma_semaphore, #tpu.memory_space<semaphore_mem>>
      %dma_start3A = tpu.memref_slice %arg4[%mul3A_282] : memref<10240xf32, #tpu.memory_space<vmem_shared>> -> memref<640xf32, #tpu.memory_space<vmem_shared>>
      %dma_start3A_293 = tpu.memref_slice %arg4[%mul3A_282] : memref<10240xf32, #tpu.memory_space<vmem_shared>> -> memref<640xf32, #tpu.memory_space<vmem_shared>>
      tpu.enqueue_dma source(%arg7 : memref<640xf32, #tpu.memory_space<vmem>>) target(%dma_start3A_293 : memref<640xf32, #tpu.memory_space<vmem_shared>>) target_semaphore(%run_scoped3A_292 : memref<!tpu.dma_semaphore, #tpu.memory_space<semaphore_mem>>)
      %dma_wait3A = tpu.memref_slice %arg4[%mul3A_282] : memref<10240xf32, #tpu.memory_space<vmem_shared>> -> memref<640xf32, #tpu.memory_space<vmem_shared>>
      %dma_wait3A_294 = tpu.memref_slice %arg4[%mul3A_282] : memref<10240xf32, #tpu.memory_space<vmem_shared>> -> memref<640xf32, #tpu.memory_space<vmem_shared>>
      tpu.wait_dma2 semaphore(%run_scoped3A_292 : memref<!tpu.dma_semaphore, #tpu.memory_space<semaphore_mem>>) src(%arg7 : memref<640xf32, #tpu.memory_space<vmem>>) dst(%dma_wait3A_294 : memref<640xf32, #tpu.memory_space<vmem_shared>>)
      tpu.yield
    }) : () -> ()
    %run_scoped3A = arith.constant 1 : i32
    "tpu.region"() ({
      %run_scoped3A_292 = tpu.sem_alloc : memref<!tpu.dma_semaphore, #tpu.memory_space<semaphore_mem>>
      %dma_start3A = arith.constant 0 : i32
      %dma_start3A_293 = arith.constant 0 : i32
      %dma_start3A_294 = tpu.memref_slice %arg2[%run_scoped3A, %add3A, %dma_start3A, %dma_start3A_293] : memref<2x32x90x112xi32, #tpu.memory_space<hbm>> -> memref<1x1x90x112xi32, #tpu.memory_space<hbm>>
      %dma_start3A_295 = tpu.memref_squeeze %dma_start3A_294 : memref<1x1x90x112xi32, #tpu.memory_space<hbm>> -> memref<90x112xi32, #tpu.memory_space<hbm>>
      %dma_start3A_296 = arith.constant 0 : i32
      %dma_start3A_297 = arith.constant 0 : i32
      %dma_start3A_298 = tpu.memref_slice %arg2[%run_scoped3A, %add3A, %dma_start3A_296, %dma_start3A_297] : memref<2x32x90x112xi32, #tpu.memory_space<hbm>> -> memref<1x1x90x112xi32, #tpu.memory_space<hbm>>
      %dma_start3A_299 = tpu.memref_squeeze %dma_start3A_298 : memref<1x1x90x112xi32, #tpu.memory_space<hbm>> -> memref<90x112xi32, #tpu.memory_space<hbm>>
      tpu.enqueue_dma source(%dma_start3A_299 : memref<90x112xi32, #tpu.memory_space<hbm>>) target(%arg5 : memref<90x112xi32, #tpu.memory_space<vmem>>) target_semaphore(%run_scoped3A_292 : memref<!tpu.dma_semaphore, #tpu.memory_space<semaphore_mem>>)
      %dma_wait3A = arith.constant 0 : i32
      %dma_wait3A_300 = arith.constant 0 : i32
      %dma_wait3A_301 = tpu.memref_slice %arg2[%run_scoped3A, %add3A, %dma_wait3A, %dma_wait3A_300] : memref<2x32x90x112xi32, #tpu.memory_space<hbm>> -> memref<1x1x90x112xi32, #tpu.memory_space<hbm>>
      %dma_wait3A_302 = tpu.memref_squeeze %dma_wait3A_301 : memref<1x1x90x112xi32, #tpu.memory_space<hbm>> -> memref<90x112xi32, #tpu.memory_space<hbm>>
      %dma_wait3A_303 = arith.constant 0 : i32
      %dma_wait3A_304 = arith.constant 0 : i32
      %dma_wait3A_305 = tpu.memref_slice %arg2[%run_scoped3A, %add3A, %dma_wait3A_303, %dma_wait3A_304] : memref<2x32x90x112xi32, #tpu.memory_space<hbm>> -> memref<1x1x90x112xi32, #tpu.memory_space<hbm>>
      %dma_wait3A_306 = tpu.memref_squeeze %dma_wait3A_305 : memref<1x1x90x112xi32, #tpu.memory_space<hbm>> -> memref<90x112xi32, #tpu.memory_space<hbm>>
      tpu.wait_dma2 semaphore(%run_scoped3A_292 : memref<!tpu.dma_semaphore, #tpu.memory_space<semaphore_mem>>) src(%dma_wait3A_306 : memref<90x112xi32, #tpu.memory_space<hbm>>) dst(%arg5 : memref<90x112xi32, #tpu.memory_space<vmem>>)
      tpu.yield
    }) : () -> ()
    %barrier3A = arith.constant 0 : index
    tpu.barrier barrier_id(%barrier3A)
    %scan3A = arith.constant 0 : i32
    %scan3A_283 = arith.constant 90 : i32
    %scan3A_284 = arith.addi %scan3A, %scan3A_283 : i32
    %scan3A_285 = arith.constant 1 : i32
    scf.for %scan3A_292 = %scan3A to %scan3A_284 step %scan3A_285  : i32 {
      "tpu.region"() ({
        %run_scoped3A_293 = tpu.sem_alloc : memref<!tpu.dma_semaphore, #tpu.memory_space<semaphore_mem>>
        %dma_start3A = arith.constant 0 : i32
        %dma_start3A_294 = tpu.memref_slice %arg5[%scan3A_292, %dma_start3A] : memref<90x112xi32, #tpu.memory_space<vmem>> -> memref<1x112xi32, #tpu.memory_space<vmem>>
        %dma_start3A_295 = tpu.memref_squeeze %dma_start3A_294 : memref<1x112xi32, #tpu.memory_space<vmem>> -> memref<112xi32, #tpu.memory_space<vmem>>
        %dma_start3A_296 = arith.constant 0 : i32
        %dma_start3A_297 = tpu.memref_slice %arg4[%dma_start3A_296] : memref<10240xf32, #tpu.memory_space<vmem_shared>> -> memref<10240xf32, #tpu.memory_space<vmem_shared>>
        tpu.enqueue_indirect_dma source(%arg6 : memref<112xf32, #tpu.memory_space<vmem>>) target(%dma_start3A_297 : memref<10240xf32, #tpu.memory_space<vmem_shared>>) offsets(%dma_start3A_295 : memref<112xi32, #tpu.memory_space<vmem>>) semaphore(%run_scoped3A_293 : memref<!tpu.dma_semaphore, #tpu.memory_space<semaphore_mem>>) {add = true}
        %dma_wait3A = arith.constant 0 : i32
        %dma_wait3A_298 = tpu.memref_slice %arg5[%scan3A_292, %dma_wait3A] : memref<90x112xi32, #tpu.memory_space<vmem>> -> memref<1x112xi32, #tpu.memory_space<vmem>>
        %dma_wait3A_299 = tpu.memref_squeeze %dma_wait3A_298 : memref<1x112xi32, #tpu.memory_space<vmem>> -> memref<112xi32, #tpu.memory_space<vmem>>
        %dma_wait3A_300 = arith.constant 0 : i32
        %dma_wait3A_301 = tpu.memref_slice %arg4[%dma_wait3A_300] : memref<10240xf32, #tpu.memory_space<vmem_shared>> -> memref<10240xf32, #tpu.memory_space<vmem_shared>>
        tpu.wait_indirect_dma semaphore(%run_scoped3A_293 : memref<!tpu.dma_semaphore, #tpu.memory_space<semaphore_mem>>) src(%arg6 : memref<112xf32, #tpu.memory_space<vmem>>) dst(%dma_wait3A_301 : memref<10240xf32, #tpu.memory_space<vmem_shared>>)
        tpu.yield
      }) : () -> ()
    }
    %scan3A_286 = arith.constant 90 : i32
    %barrier3A_287 = arith.constant 0 : index
    tpu.barrier barrier_id(%barrier3A_287)
    %mul3A_288 = arith.constant 640 : i32
    %mul3A_289 = arith.muli %arg1, %mul3A_288 : i32
    %mul3A_290 = arith.constant 640 : i32
    %mul3A_291 = arith.muli %arg1, %mul3A_290 : i32
    "tpu.region"() ({
      %run_scoped3A_292 = tpu.sem_alloc : memref<!tpu.dma_semaphore, #tpu.memory_space<semaphore_mem>>
      %dma_start3A = tpu.memref_slice %arg3[%arg0, %mul3A_291] : memref<2x10240xf32, #tpu.memory_space<hbm>> -> memref<1x640xf32, #tpu.memory_space<hbm>>
      %dma_start3A_293 = tpu.memref_squeeze %dma_start3A : memref<1x640xf32, #tpu.memory_space<hbm>> -> memref<640xf32, #tpu.memory_space<hbm>>
      %dma_start3A_294 = tpu.memref_slice %arg4[%mul3A_289] : memref<10240xf32, #tpu.memory_space<vmem_shared>> -> memref<640xf32, #tpu.memory_space<vmem_shared>>
      tpu.enqueue_dma source(%dma_start3A_294 : memref<640xf32, #tpu.memory_space<vmem_shared>>) target(%dma_start3A_293 : memref<640xf32, #tpu.memory_space<hbm>>) target_semaphore(%run_scoped3A_292 : memref<!tpu.dma_semaphore, #tpu.memory_space<semaphore_mem>>)
      %dma_wait3A = tpu.memref_slice %arg3[%arg0, %mul3A_291] : memref<2x10240xf32, #tpu.memory_space<hbm>> -> memref<1x640xf32, #tpu.memory_space<hbm>>
      %dma_wait3A_295 = tpu.memref_squeeze %dma_wait3A : memref<1x640xf32, #tpu.memory_space<hbm>> -> memref<640xf32, #tpu.memory_space<hbm>>
      %dma_wait3A_296 = tpu.memref_slice %arg4[%mul3A_289] : memref<10240xf32, #tpu.memory_space<vmem_shared>> -> memref<640xf32, #tpu.memory_space<vmem_shared>>
      tpu.wait_dma2 semaphore(%run_scoped3A_292 : memref<!tpu.dma_semaphore, #tpu.memory_space<semaphore_mem>>) src(%dma_wait3A_296 : memref<640xf32, #tpu.memory_space<vmem_shared>>) dst(%dma_wait3A_295 : memref<640xf32, #tpu.memory_space<hbm>>)
      tpu.yield
    }) : () -> ()
    return
  }
}

#map = affine_map<(d0, d1) -> (0, 0, 0)>
#map1 = affine_map<(d0, d1) -> (0, 0, 0, 0)>
module attributes {stable_mosaic.version = 14 : i64} {
  func.func @_sc_agg1_body(%arg0: i32, %arg1: i32, %arg2: memref<2x10240x64xf32, #tpu.memory_space<hbm>>, %arg3: memref<2x16x180x112xi32, #tpu.memory_space<hbm>>, %arg4: memref<2x10240x64xf32, #tpu.memory_space<hbm>>, %arg5: memref<10240x64xf32, #tpu.memory_space<vmem_shared>>, %arg6: memref<180x112xi32, #tpu.memory_space<vmem>>, %arg7: memref<180x112xi32, #tpu.memory_space<vmem>>, %arg8: memref<112x64xf32, #tpu.memory_space<vmem>>, %arg9: memref<112x64xf32, #tpu.memory_space<vmem>>, %arg10: memref<112x64xf32, #tpu.memory_space<vmem>>, %arg11: memref<!tpu.dma_semaphore, #tpu.memory_space<semaphore_mem>>, %arg12: memref<!tpu.dma_semaphore, #tpu.memory_space<semaphore_mem>>, %arg13: memref<!tpu.dma_semaphore, #tpu.memory_space<semaphore_mem>>) attributes {dimension_semantics = [#tpu.dimension_semantics<core_parallel>, #tpu.dimension_semantics<subcore_parallel>], iteration_bounds = array<i64: 2, 16>, scalar_prefetch = 0 : i64, scratch_operands = 9 : i64, tpu.core_type = #tpu.core_type<sc_vector_subcore>, window_params = [{transform_indices = #map}, {transform_indices = #map1}, {transform_indices = #map}]} {
    %mul3A = arith.constant 640 : i32
    %mul3A_0 = arith.muli %arg1, %mul3A : i32
    "tpu.region"() ({
      %run_scoped3A_28 = tpu.sem_alloc : memref<!tpu.dma_semaphore, #tpu.memory_space<semaphore_mem>>
      %dma_start3A_29 = arith.constant 0 : i32
      %dma_start3A_30 = tpu.memref_slice %arg5[%mul3A_0, %dma_start3A_29] : memref<10240x64xf32, #tpu.memory_space<vmem_shared>> -> memref<640x64xf32, #tpu.memory_space<vmem_shared>>
      %dma_start3A_31 = arith.constant 0 : i32
      %dma_start3A_32 = tpu.memref_slice %arg2[%arg0, %mul3A_0, %dma_start3A_31] : memref<2x10240x64xf32, #tpu.memory_space<hbm>> -> memref<1x640x64xf32, #tpu.memory_space<hbm>>
      %dma_start3A_33 = tpu.memref_squeeze %dma_start3A_32 : memref<1x640x64xf32, #tpu.memory_space<hbm>> -> memref<640x64xf32, #tpu.memory_space<hbm>>
      tpu.enqueue_dma source(%dma_start3A_33 : memref<640x64xf32, #tpu.memory_space<hbm>>) target(%dma_start3A_30 : memref<640x64xf32, #tpu.memory_space<vmem_shared>>) target_semaphore(%run_scoped3A_28 : memref<!tpu.dma_semaphore, #tpu.memory_space<semaphore_mem>>)
      %dma_wait3A = arith.constant 0 : i32
      %dma_wait3A_34 = tpu.memref_slice %arg5[%mul3A_0, %dma_wait3A] : memref<10240x64xf32, #tpu.memory_space<vmem_shared>> -> memref<640x64xf32, #tpu.memory_space<vmem_shared>>
      %dma_wait3A_35 = arith.constant 0 : i32
      %dma_wait3A_36 = tpu.memref_slice %arg2[%arg0, %mul3A_0, %dma_wait3A_35] : memref<2x10240x64xf32, #tpu.memory_space<hbm>> -> memref<1x640x64xf32, #tpu.memory_space<hbm>>
      %dma_wait3A_37 = tpu.memref_squeeze %dma_wait3A_36 : memref<1x640x64xf32, #tpu.memory_space<hbm>> -> memref<640x64xf32, #tpu.memory_space<hbm>>
      tpu.wait_dma2 semaphore(%run_scoped3A_28 : memref<!tpu.dma_semaphore, #tpu.memory_space<semaphore_mem>>) src(%dma_wait3A_37 : memref<640x64xf32, #tpu.memory_space<hbm>>) dst(%dma_wait3A_34 : memref<640x64xf32, #tpu.memory_space<vmem_shared>>)
      tpu.yield
    }) : () -> ()
    %run_scoped3A = arith.constant 0 : i32
    "tpu.region"() ({
      %run_scoped3A_28 = tpu.sem_alloc : memref<!tpu.dma_semaphore, #tpu.memory_space<semaphore_mem>>
      %dma_start3A_29 = arith.constant 0 : i32
      %dma_start3A_30 = arith.constant 0 : i32
      %dma_start3A_31 = tpu.memref_slice %arg3[%run_scoped3A, %arg1, %dma_start3A_29, %dma_start3A_30] : memref<2x16x180x112xi32, #tpu.memory_space<hbm>> -> memref<1x1x180x112xi32, #tpu.memory_space<hbm>>
      %dma_start3A_32 = tpu.memref_squeeze %dma_start3A_31 : memref<1x1x180x112xi32, #tpu.memory_space<hbm>> -> memref<180x112xi32, #tpu.memory_space<hbm>>
      %dma_start3A_33 = arith.constant 0 : i32
      %dma_start3A_34 = arith.constant 0 : i32
      %dma_start3A_35 = tpu.memref_slice %arg3[%run_scoped3A, %arg1, %dma_start3A_33, %dma_start3A_34] : memref<2x16x180x112xi32, #tpu.memory_space<hbm>> -> memref<1x1x180x112xi32, #tpu.memory_space<hbm>>
      %dma_start3A_36 = tpu.memref_squeeze %dma_start3A_35 : memref<1x1x180x112xi32, #tpu.memory_space<hbm>> -> memref<180x112xi32, #tpu.memory_space<hbm>>
      tpu.enqueue_dma source(%dma_start3A_36 : memref<180x112xi32, #tpu.memory_space<hbm>>) target(%arg6 : memref<180x112xi32, #tpu.memory_space<vmem>>) target_semaphore(%run_scoped3A_28 : memref<!tpu.dma_semaphore, #tpu.memory_space<semaphore_mem>>)
      %dma_wait3A = arith.constant 0 : i32
      %dma_wait3A_37 = arith.constant 0 : i32
      %dma_wait3A_38 = tpu.memref_slice %arg3[%run_scoped3A, %arg1, %dma_wait3A, %dma_wait3A_37] : memref<2x16x180x112xi32, #tpu.memory_space<hbm>> -> memref<1x1x180x112xi32, #tpu.memory_space<hbm>>
      %dma_wait3A_39 = tpu.memref_squeeze %dma_wait3A_38 : memref<1x1x180x112xi32, #tpu.memory_space<hbm>> -> memref<180x112xi32, #tpu.memory_space<hbm>>
      %dma_wait3A_40 = arith.constant 0 : i32
      %dma_wait3A_41 = arith.constant 0 : i32
      %dma_wait3A_42 = tpu.memref_slice %arg3[%run_scoped3A, %arg1, %dma_wait3A_40, %dma_wait3A_41] : memref<2x16x180x112xi32, #tpu.memory_space<hbm>> -> memref<1x1x180x112xi32, #tpu.memory_space<hbm>>
      %dma_wait3A_43 = tpu.memref_squeeze %dma_wait3A_42 : memref<1x1x180x112xi32, #tpu.memory_space<hbm>> -> memref<180x112xi32, #tpu.memory_space<hbm>>
      tpu.wait_dma2 semaphore(%run_scoped3A_28 : memref<!tpu.dma_semaphore, #tpu.memory_space<semaphore_mem>>) src(%dma_wait3A_43 : memref<180x112xi32, #tpu.memory_space<hbm>>) dst(%arg6 : memref<180x112xi32, #tpu.memory_space<vmem>>)
      tpu.yield
    }) : () -> ()
    %run_scoped3A_1 = arith.constant 1 : i32
    "tpu.region"() ({
      %run_scoped3A_28 = tpu.sem_alloc : memref<!tpu.dma_semaphore, #tpu.memory_space<semaphore_mem>>
      %dma_start3A_29 = arith.constant 0 : i32
      %dma_start3A_30 = arith.constant 0 : i32
      %dma_start3A_31 = tpu.memref_slice %arg3[%run_scoped3A_1, %arg1, %dma_start3A_29, %dma_start3A_30] : memref<2x16x180x112xi32, #tpu.memory_space<hbm>> -> memref<1x1x180x112xi32, #tpu.memory_space<hbm>>
      %dma_start3A_32 = tpu.memref_squeeze %dma_start3A_31 : memref<1x1x180x112xi32, #tpu.memory_space<hbm>> -> memref<180x112xi32, #tpu.memory_space<hbm>>
      %dma_start3A_33 = arith.constant 0 : i32
      %dma_start3A_34 = arith.constant 0 : i32
      %dma_start3A_35 = tpu.memref_slice %arg3[%run_scoped3A_1, %arg1, %dma_start3A_33, %dma_start3A_34] : memref<2x16x180x112xi32, #tpu.memory_space<hbm>> -> memref<1x1x180x112xi32, #tpu.memory_space<hbm>>
      %dma_start3A_36 = tpu.memref_squeeze %dma_start3A_35 : memref<1x1x180x112xi32, #tpu.memory_space<hbm>> -> memref<180x112xi32, #tpu.memory_space<hbm>>
      tpu.enqueue_dma source(%dma_start3A_36 : memref<180x112xi32, #tpu.memory_space<hbm>>) target(%arg7 : memref<180x112xi32, #tpu.memory_space<vmem>>) target_semaphore(%run_scoped3A_28 : memref<!tpu.dma_semaphore, #tpu.memory_space<semaphore_mem>>)
      %dma_wait3A = arith.constant 0 : i32
      %dma_wait3A_37 = arith.constant 0 : i32
      %dma_wait3A_38 = tpu.memref_slice %arg3[%run_scoped3A_1, %arg1, %dma_wait3A, %dma_wait3A_37] : memref<2x16x180x112xi32, #tpu.memory_space<hbm>> -> memref<1x1x180x112xi32, #tpu.memory_space<hbm>>
      %dma_wait3A_39 = tpu.memref_squeeze %dma_wait3A_38 : memref<1x1x180x112xi32, #tpu.memory_space<hbm>> -> memref<180x112xi32, #tpu.memory_space<hbm>>
      %dma_wait3A_40 = arith.constant 0 : i32
      %dma_wait3A_41 = arith.constant 0 : i32
      %dma_wait3A_42 = tpu.memref_slice %arg3[%run_scoped3A_1, %arg1, %dma_wait3A_40, %dma_wait3A_41] : memref<2x16x180x112xi32, #tpu.memory_space<hbm>> -> memref<1x1x180x112xi32, #tpu.memory_space<hbm>>
      %dma_wait3A_43 = tpu.memref_squeeze %dma_wait3A_42 : memref<1x1x180x112xi32, #tpu.memory_space<hbm>> -> memref<180x112xi32, #tpu.memory_space<hbm>>
      tpu.wait_dma2 semaphore(%run_scoped3A_28 : memref<!tpu.dma_semaphore, #tpu.memory_space<semaphore_mem>>) src(%dma_wait3A_43 : memref<180x112xi32, #tpu.memory_space<hbm>>) dst(%arg7 : memref<180x112xi32, #tpu.memory_space<vmem>>)
      tpu.yield
    }) : () -> ()
    %barrier3A = arith.constant 0 : index
    tpu.barrier barrier_id(%barrier3A)
    %dma_start3A = arith.constant 0 : i32
    %dma_start3A_2 = arith.constant 0 : i32
    %dma_start3A_3 = tpu.memref_slice %arg6[%dma_start3A, %dma_start3A_2] : memref<180x112xi32, #tpu.memory_space<vmem>> -> memref<1x112xi32, #tpu.memory_space<vmem>>
    %dma_start3A_4 = tpu.memref_squeeze %dma_start3A_3 : memref<1x112xi32, #tpu.memory_space<vmem>> -> memref<112xi32, #tpu.memory_space<vmem>>
    %dma_start3A_5 = arith.constant 0 : i32
    %dma_start3A_6 = arith.constant 0 : i32
    %dma_start3A_7 = tpu.memref_slice %arg2[%arg0, %dma_start3A_5, %dma_start3A_6] : memref<2x10240x64xf32, #tpu.memory_space<hbm>> -> memref<1x10240x64xf32, #tpu.memory_space<hbm>>
    %dma_start3A_8 = tpu.memref_squeeze %dma_start3A_7 : memref<1x10240x64xf32, #tpu.memory_space<hbm>> -> memref<10240x64xf32, #tpu.memory_space<hbm>>
    %dma_start3A_9 = arith.constant 0 : i32
    %dma_start3A_10 = arith.constant 0 : i32
    %dma_start3A_11 = tpu.memref_slice %dma_start3A_8[%dma_start3A_9, %dma_start3A_10] : memref<10240x64xf32, #tpu.memory_space<hbm>> -> memref<10240x64xf32, #tpu.memory_space<hbm>>
    tpu.enqueue_indirect_dma source(%dma_start3A_11 : memref<10240x64xf32, #tpu.memory_space<hbm>>) target(%arg8 : memref<112x64xf32, #tpu.memory_space<vmem>>) offsets(%dma_start3A_4 : memref<112xi32, #tpu.memory_space<vmem>>) semaphore(%arg11 : memref<!tpu.dma_semaphore, #tpu.memory_space<semaphore_mem>>)
    %dma_start3A_12 = arith.constant 1 : i32
    %dma_start3A_13 = arith.constant 0 : i32
    %dma_start3A_14 = tpu.memref_slice %arg6[%dma_start3A_12, %dma_start3A_13] : memref<180x112xi32, #tpu.memory_space<vmem>> -> memref<1x112xi32, #tpu.memory_space<vmem>>
    %dma_start3A_15 = tpu.memref_squeeze %dma_start3A_14 : memref<1x112xi32, #tpu.memory_space<vmem>> -> memref<112xi32, #tpu.memory_space<vmem>>
    %dma_start3A_16 = arith.constant 0 : i32
    %dma_start3A_17 = arith.constant 0 : i32
    %dma_start3A_18 = tpu.memref_slice %arg2[%arg0, %dma_start3A_16, %dma_start3A_17] : memref<2x10240x64xf32, #tpu.memory_space<hbm>> -> memref<1x10240x64xf32, #tpu.memory_space<hbm>>
    %dma_start3A_19 = tpu.memref_squeeze %dma_start3A_18 : memref<1x10240x64xf32, #tpu.memory_space<hbm>> -> memref<10240x64xf32, #tpu.memory_space<hbm>>
    %dma_start3A_20 = arith.constant 0 : i32
    %dma_start3A_21 = arith.constant 0 : i32
    %dma_start3A_22 = tpu.memref_slice %dma_start3A_19[%dma_start3A_20, %dma_start3A_21] : memref<10240x64xf32, #tpu.memory_space<hbm>> -> memref<10240x64xf32, #tpu.memory_space<hbm>>
    tpu.enqueue_indirect_dma source(%dma_start3A_22 : memref<10240x64xf32, #tpu.memory_space<hbm>>) target(%arg9 : memref<112x64xf32, #tpu.memory_space<vmem>>) offsets(%dma_start3A_15 : memref<112xi32, #tpu.memory_space<vmem>>) semaphore(%arg12 : memref<!tpu.dma_semaphore, #tpu.memory_space<semaphore_mem>>)
    %scan3A = arith.constant 0 : i32
    %scan3A_23 = arith.constant 60 : i32
    %scan3A_24 = arith.addi %scan3A, %scan3A_23 : i32
    %scan3A_25 = arith.constant 1 : i32
    scf.for %scan3A_28 = %scan3A to %scan3A_24 step %scan3A_25  : i32 {
      %mul3A_29 = arith.constant 3 : i32
      %mul3A_30 = arith.muli %mul3A_29, %scan3A_28 : i32
      %add3A = arith.constant 0 : i32
      %add3A_31 = arith.addi %mul3A_30, %add3A : i32
      %add3A_32 = arith.constant 3 : i32
      %add3A_33 = arith.addi %add3A_31, %add3A_32 : i32
      %sub3A = arith.constant 1 : i32
      %sub3A_34 = arith.subi %add3A_33, %sub3A : i32
      %lt3A = arith.constant 180 : i32
      %lt3A_35 = arith.cmpi slt, %sub3A_34, %lt3A : i32
      %convert_element_type3A = arith.extui %lt3A_35 : i1 to i32
      %cond3A = arith.constant 0 : i32
      %cond3A_36 = arith.cmpi ne, %convert_element_type3A, %cond3A : i32
      scf.if %cond3A_36 {
        %dma_start3A_92 = arith.constant 0 : i32
        %dma_start3A_93 = tpu.memref_slice %arg6[%sub3A_34, %dma_start3A_92] : memref<180x112xi32, #tpu.memory_space<vmem>> -> memref<1x112xi32, #tpu.memory_space<vmem>>
        %dma_start3A_94 = tpu.memref_squeeze %dma_start3A_93 : memref<1x112xi32, #tpu.memory_space<vmem>> -> memref<112xi32, #tpu.memory_space<vmem>>
        %dma_start3A_95 = arith.constant 0 : i32
        %dma_start3A_96 = arith.constant 0 : i32
        %dma_start3A_97 = tpu.memref_slice %arg2[%arg0, %dma_start3A_95, %dma_start3A_96] : memref<2x10240x64xf32, #tpu.memory_space<hbm>> -> memref<1x10240x64xf32, #tpu.memory_space<hbm>>
        %dma_start3A_98 = tpu.memref_squeeze %dma_start3A_97 : memref<1x10240x64xf32, #tpu.memory_space<hbm>> -> memref<10240x64xf32, #tpu.memory_space<hbm>>
        %dma_start3A_99 = arith.constant 0 : i32
        %dma_start3A_100 = arith.constant 0 : i32
        %dma_start3A_101 = tpu.memref_slice %dma_start3A_98[%dma_start3A_99, %dma_start3A_100] : memref<10240x64xf32, #tpu.memory_space<hbm>> -> memref<10240x64xf32, #tpu.memory_space<hbm>>
        tpu.enqueue_indirect_dma source(%dma_start3A_101 : memref<10240x64xf32, #tpu.memory_space<hbm>>) target(%arg10 : memref<112x64xf32, #tpu.memory_space<vmem>>) offsets(%dma_start3A_94 : memref<112xi32, #tpu.memory_space<vmem>>) semaphore(%arg13 : memref<!tpu.dma_semaphore, #tpu.memory_space<semaphore_mem>>)
      } else {
      }
      %dma_wait3A = arith.constant 0 : i32
      %dma_wait3A_37 = tpu.memref_slice %arg6[%add3A_31, %dma_wait3A] : memref<180x112xi32, #tpu.memory_space<vmem>> -> memref<1x112xi32, #tpu.memory_space<vmem>>
      %dma_wait3A_38 = tpu.memref_squeeze %dma_wait3A_37 : memref<1x112xi32, #tpu.memory_space<vmem>> -> memref<112xi32, #tpu.memory_space<vmem>>
      %dma_wait3A_39 = arith.constant 0 : i32
      %dma_wait3A_40 = arith.constant 0 : i32
      %dma_wait3A_41 = tpu.memref_slice %arg2[%arg0, %dma_wait3A_39, %dma_wait3A_40] : memref<2x10240x64xf32, #tpu.memory_space<hbm>> -> memref<1x10240x64xf32, #tpu.memory_space<hbm>>
      %dma_wait3A_42 = tpu.memref_squeeze %dma_wait3A_41 : memref<1x10240x64xf32, #tpu.memory_space<hbm>> -> memref<10240x64xf32, #tpu.memory_space<hbm>>
      %dma_wait3A_43 = arith.constant 0 : i32
      %dma_wait3A_44 = arith.constant 0 : i32
      %dma_wait3A_45 = tpu.memref_slice %dma_wait3A_42[%dma_wait3A_43, %dma_wait3A_44] : memref<10240x64xf32, #tpu.memory_space<hbm>> -> memref<10240x64xf32, #tpu.memory_space<hbm>>
      tpu.wait_indirect_dma semaphore(%arg11 : memref<!tpu.dma_semaphore, #tpu.memory_space<semaphore_mem>>) src(%dma_wait3A_45 : memref<10240x64xf32, #tpu.memory_space<hbm>>) dst(%arg8 : memref<112x64xf32, #tpu.memory_space<vmem>>)
      "tpu.region"() ({
        %run_scoped3A_92 = tpu.sem_alloc : memref<!tpu.dma_semaphore, #tpu.memory_space<semaphore_mem>>
        %dma_start3A_93 = arith.constant 0 : i32
        %dma_start3A_94 = tpu.memref_slice %arg7[%add3A_31, %dma_start3A_93] : memref<180x112xi32, #tpu.memory_space<vmem>> -> memref<1x112xi32, #tpu.memory_space<vmem>>
        %dma_start3A_95 = tpu.memref_squeeze %dma_start3A_94 : memref<1x112xi32, #tpu.memory_space<vmem>> -> memref<112xi32, #tpu.memory_space<vmem>>
        %dma_start3A_96 = arith.constant 0 : i32
        %dma_start3A_97 = arith.constant 0 : i32
        %dma_start3A_98 = tpu.memref_slice %arg5[%dma_start3A_96, %dma_start3A_97] : memref<10240x64xf32, #tpu.memory_space<vmem_shared>> -> memref<10240x64xf32, #tpu.memory_space<vmem_shared>>
        tpu.enqueue_indirect_dma source(%arg8 : memref<112x64xf32, #tpu.memory_space<vmem>>) target(%dma_start3A_98 : memref<10240x64xf32, #tpu.memory_space<vmem_shared>>) offsets(%dma_start3A_95 : memref<112xi32, #tpu.memory_space<vmem>>) semaphore(%run_scoped3A_92 : memref<!tpu.dma_semaphore, #tpu.memory_space<semaphore_mem>>) {add = true}
        %dma_wait3A_99 = arith.constant 0 : i32
        %dma_wait3A_100 = tpu.memref_slice %arg7[%add3A_31, %dma_wait3A_99] : memref<180x112xi32, #tpu.memory_space<vmem>> -> memref<1x112xi32, #tpu.memory_space<vmem>>
        %dma_wait3A_101 = tpu.memref_squeeze %dma_wait3A_100 : memref<1x112xi32, #tpu.memory_space<vmem>> -> memref<112xi32, #tpu.memory_space<vmem>>
        %dma_wait3A_102 = arith.constant 0 : i32
        %dma_wait3A_103 = arith.constant 0 : i32
        %dma_wait3A_104 = tpu.memref_slice %arg5[%dma_wait3A_102, %dma_wait3A_103] : memref<10240x64xf32, #tpu.memory_space<vmem_shared>> -> memref<10240x64xf32, #tpu.memory_space<vmem_shared>>
        tpu.wait_indirect_dma semaphore(%run_scoped3A_92 : memref<!tpu.dma_semaphore, #tpu.memory_space<semaphore_mem>>) src(%arg8 : memref<112x64xf32, #tpu.memory_space<vmem>>) dst(%dma_wait3A_104 : memref<10240x64xf32, #tpu.memory_space<vmem_shared>>)
        tpu.yield
      }) : () -> ()
      %mul3A_46 = arith.constant 3 : i32
      %mul3A_47 = arith.muli %mul3A_46, %scan3A_28 : i32
      %add3A_48 = arith.constant 1 : i32
      %add3A_49 = arith.addi %mul3A_47, %add3A_48 : i32
      %add3A_50 = arith.constant 3 : i32
      %add3A_51 = arith.addi %add3A_49, %add3A_50 : i32
      %sub3A_52 = arith.constant 1 : i32
      %sub3A_53 = arith.subi %add3A_51, %sub3A_52 : i32
      %lt3A_54 = arith.constant 180 : i32
      %lt3A_55 = arith.cmpi slt, %sub3A_53, %lt3A_54 : i32
      %convert_element_type3A_56 = arith.extui %lt3A_55 : i1 to i32
      %cond3A_57 = arith.constant 0 : i32
      %cond3A_58 = arith.cmpi ne, %convert_element_type3A_56, %cond3A_57 : i32
      scf.if %cond3A_58 {
        %dma_start3A_92 = arith.constant 0 : i32
        %dma_start3A_93 = tpu.memref_slice %arg6[%sub3A_53, %dma_start3A_92] : memref<180x112xi32, #tpu.memory_space<vmem>> -> memref<1x112xi32, #tpu.memory_space<vmem>>
        %dma_start3A_94 = tpu.memref_squeeze %dma_start3A_93 : memref<1x112xi32, #tpu.memory_space<vmem>> -> memref<112xi32, #tpu.memory_space<vmem>>
        %dma_start3A_95 = arith.constant 0 : i32
        %dma_start3A_96 = arith.constant 0 : i32
        %dma_start3A_97 = tpu.memref_slice %arg2[%arg0, %dma_start3A_95, %dma_start3A_96] : memref<2x10240x64xf32, #tpu.memory_space<hbm>> -> memref<1x10240x64xf32, #tpu.memory_space<hbm>>
        %dma_start3A_98 = tpu.memref_squeeze %dma_start3A_97 : memref<1x10240x64xf32, #tpu.memory_space<hbm>> -> memref<10240x64xf32, #tpu.memory_space<hbm>>
        %dma_start3A_99 = arith.constant 0 : i32
        %dma_start3A_100 = arith.constant 0 : i32
        %dma_start3A_101 = tpu.memref_slice %dma_start3A_98[%dma_start3A_99, %dma_start3A_100] : memref<10240x64xf32, #tpu.memory_space<hbm>> -> memref<10240x64xf32, #tpu.memory_space<hbm>>
        tpu.enqueue_indirect_dma source(%dma_start3A_101 : memref<10240x64xf32, #tpu.memory_space<hbm>>) target(%arg8 : memref<112x64xf32, #tpu.memory_space<vmem>>) offsets(%dma_start3A_94 : memref<112xi32, #tpu.memory_space<vmem>>) semaphore(%arg11 : memref<!tpu.dma_semaphore, #tpu.memory_space<semaphore_mem>>)
      } else {
      }
      %dma_wait3A_59 = arith.constant 0 : i32
      %dma_wait3A_60 = tpu.memref_slice %arg6[%add3A_49, %dma_wait3A_59] : memref<180x112xi32, #tpu.memory_space<vmem>> -> memref<1x112xi32, #tpu.memory_space<vmem>>
      %dma_wait3A_61 = tpu.memref_squeeze %dma_wait3A_60 : memref<1x112xi32, #tpu.memory_space<vmem>> -> memref<112xi32, #tpu.memory_space<vmem>>
      %dma_wait3A_62 = arith.constant 0 : i32
      %dma_wait3A_63 = arith.constant 0 : i32
      %dma_wait3A_64 = tpu.memref_slice %arg2[%arg0, %dma_wait3A_62, %dma_wait3A_63] : memref<2x10240x64xf32, #tpu.memory_space<hbm>> -> memref<1x10240x64xf32, #tpu.memory_space<hbm>>
      %dma_wait3A_65 = tpu.memref_squeeze %dma_wait3A_64 : memref<1x10240x64xf32, #tpu.memory_space<hbm>> -> memref<10240x64xf32, #tpu.memory_space<hbm>>
      %dma_wait3A_66 = arith.constant 0 : i32
      %dma_wait3A_67 = arith.constant 0 : i32
      %dma_wait3A_68 = tpu.memref_slice %dma_wait3A_65[%dma_wait3A_66, %dma_wait3A_67] : memref<10240x64xf32, #tpu.memory_space<hbm>> -> memref<10240x64xf32, #tpu.memory_space<hbm>>
      tpu.wait_indirect_dma semaphore(%arg12 : memref<!tpu.dma_semaphore, #tpu.memory_space<semaphore_mem>>) src(%dma_wait3A_68 : memref<10240x64xf32, #tpu.memory_space<hbm>>) dst(%arg9 : memref<112x64xf32, #tpu.memory_space<vmem>>)
      "tpu.region"() ({
        %run_scoped3A_92 = tpu.sem_alloc : memref<!tpu.dma_semaphore, #tpu.memory_space<semaphore_mem>>
        %dma_start3A_93 = arith.constant 0 : i32
        %dma_start3A_94 = tpu.memref_slice %arg7[%add3A_49, %dma_start3A_93] : memref<180x112xi32, #tpu.memory_space<vmem>> -> memref<1x112xi32, #tpu.memory_space<vmem>>
        %dma_start3A_95 = tpu.memref_squeeze %dma_start3A_94 : memref<1x112xi32, #tpu.memory_space<vmem>> -> memref<112xi32, #tpu.memory_space<vmem>>
        %dma_start3A_96 = arith.constant 0 : i32
        %dma_start3A_97 = arith.constant 0 : i32
        %dma_start3A_98 = tpu.memref_slice %arg5[%dma_start3A_96, %dma_start3A_97] : memref<10240x64xf32, #tpu.memory_space<vmem_shared>> -> memref<10240x64xf32, #tpu.memory_space<vmem_shared>>
        tpu.enqueue_indirect_dma source(%arg9 : memref<112x64xf32, #tpu.memory_space<vmem>>) target(%dma_start3A_98 : memref<10240x64xf32, #tpu.memory_space<vmem_shared>>) offsets(%dma_start3A_95 : memref<112xi32, #tpu.memory_space<vmem>>) semaphore(%run_scoped3A_92 : memref<!tpu.dma_semaphore, #tpu.memory_space<semaphore_mem>>) {add = true}
        %dma_wait3A_99 = arith.constant 0 : i32
        %dma_wait3A_100 = tpu.memref_slice %arg7[%add3A_49, %dma_wait3A_99] : memref<180x112xi32, #tpu.memory_space<vmem>> -> memref<1x112xi32, #tpu.memory_space<vmem>>
        %dma_wait3A_101 = tpu.memref_squeeze %dma_wait3A_100 : memref<1x112xi32, #tpu.memory_space<vmem>> -> memref<112xi32, #tpu.memory_space<vmem>>
        %dma_wait3A_102 = arith.constant 0 : i32
        %dma_wait3A_103 = arith.constant 0 : i32
        %dma_wait3A_104 = tpu.memref_slice %arg5[%dma_wait3A_102, %dma_wait3A_103] : memref<10240x64xf32, #tpu.memory_space<vmem_shared>> -> memref<10240x64xf32, #tpu.memory_space<vmem_shared>>
        tpu.wait_indirect_dma semaphore(%run_scoped3A_92 : memref<!tpu.dma_semaphore, #tpu.memory_space<semaphore_mem>>) src(%arg9 : memref<112x64xf32, #tpu.memory_space<vmem>>) dst(%dma_wait3A_104 : memref<10240x64xf32, #tpu.memory_space<vmem_shared>>)
        tpu.yield
      }) : () -> ()
      %mul3A_69 = arith.constant 3 : i32
      %mul3A_70 = arith.muli %mul3A_69, %scan3A_28 : i32
      %add3A_71 = arith.constant 2 : i32
      %add3A_72 = arith.addi %mul3A_70, %add3A_71 : i32
      %add3A_73 = arith.constant 3 : i32
      %add3A_74 = arith.addi %add3A_72, %add3A_73 : i32
      %sub3A_75 = arith.constant 1 : i32
      %sub3A_76 = arith.subi %add3A_74, %sub3A_75 : i32
      %lt3A_77 = arith.constant 180 : i32
      %lt3A_78 = arith.cmpi slt, %sub3A_76, %lt3A_77 : i32
      %convert_element_type3A_79 = arith.extui %lt3A_78 : i1 to i32
      %cond3A_80 = arith.constant 0 : i32
      %cond3A_81 = arith.cmpi ne, %convert_element_type3A_79, %cond3A_80 : i32
      scf.if %cond3A_81 {
        %dma_start3A_92 = arith.constant 0 : i32
        %dma_start3A_93 = tpu.memref_slice %arg6[%sub3A_76, %dma_start3A_92] : memref<180x112xi32, #tpu.memory_space<vmem>> -> memref<1x112xi32, #tpu.memory_space<vmem>>
        %dma_start3A_94 = tpu.memref_squeeze %dma_start3A_93 : memref<1x112xi32, #tpu.memory_space<vmem>> -> memref<112xi32, #tpu.memory_space<vmem>>
        %dma_start3A_95 = arith.constant 0 : i32
        %dma_start3A_96 = arith.constant 0 : i32
        %dma_start3A_97 = tpu.memref_slice %arg2[%arg0, %dma_start3A_95, %dma_start3A_96] : memref<2x10240x64xf32, #tpu.memory_space<hbm>> -> memref<1x10240x64xf32, #tpu.memory_space<hbm>>
        %dma_start3A_98 = tpu.memref_squeeze %dma_start3A_97 : memref<1x10240x64xf32, #tpu.memory_space<hbm>> -> memref<10240x64xf32, #tpu.memory_space<hbm>>
        %dma_start3A_99 = arith.constant 0 : i32
        %dma_start3A_100 = arith.constant 0 : i32
        %dma_start3A_101 = tpu.memref_slice %dma_start3A_98[%dma_start3A_99, %dma_start3A_100] : memref<10240x64xf32, #tpu.memory_space<hbm>> -> memref<10240x64xf32, #tpu.memory_space<hbm>>
        tpu.enqueue_indirect_dma source(%dma_start3A_101 : memref<10240x64xf32, #tpu.memory_space<hbm>>) target(%arg9 : memref<112x64xf32, #tpu.memory_space<vmem>>) offsets(%dma_start3A_94 : memref<112xi32, #tpu.memory_space<vmem>>) semaphore(%arg12 : memref<!tpu.dma_semaphore, #tpu.memory_space<semaphore_mem>>)
      } else {
      }
      %dma_wait3A_82 = arith.constant 0 : i32
      %dma_wait3A_83 = tpu.memref_slice %arg6[%add3A_72, %dma_wait3A_82] : memref<180x112xi32, #tpu.memory_space<vmem>> -> memref<1x112xi32, #tpu.memory_space<vmem>>
      %dma_wait3A_84 = tpu.memref_squeeze %dma_wait3A_83 : memref<1x112xi32, #tpu.memory_space<vmem>> -> memref<112xi32, #tpu.memory_space<vmem>>
      %dma_wait3A_85 = arith.constant 0 : i32
      %dma_wait3A_86 = arith.constant 0 : i32
      %dma_wait3A_87 = tpu.memref_slice %arg2[%arg0, %dma_wait3A_85, %dma_wait3A_86] : memref<2x10240x64xf32, #tpu.memory_space<hbm>> -> memref<1x10240x64xf32, #tpu.memory_space<hbm>>
      %dma_wait3A_88 = tpu.memref_squeeze %dma_wait3A_87 : memref<1x10240x64xf32, #tpu.memory_space<hbm>> -> memref<10240x64xf32, #tpu.memory_space<hbm>>
      %dma_wait3A_89 = arith.constant 0 : i32
      %dma_wait3A_90 = arith.constant 0 : i32
      %dma_wait3A_91 = tpu.memref_slice %dma_wait3A_88[%dma_wait3A_89, %dma_wait3A_90] : memref<10240x64xf32, #tpu.memory_space<hbm>> -> memref<10240x64xf32, #tpu.memory_space<hbm>>
      tpu.wait_indirect_dma semaphore(%arg13 : memref<!tpu.dma_semaphore, #tpu.memory_space<semaphore_mem>>) src(%dma_wait3A_91 : memref<10240x64xf32, #tpu.memory_space<hbm>>) dst(%arg10 : memref<112x64xf32, #tpu.memory_space<vmem>>)
      "tpu.region"() ({
        %run_scoped3A_92 = tpu.sem_alloc : memref<!tpu.dma_semaphore, #tpu.memory_space<semaphore_mem>>
        %dma_start3A_93 = arith.constant 0 : i32
        %dma_start3A_94 = tpu.memref_slice %arg7[%add3A_72, %dma_start3A_93] : memref<180x112xi32, #tpu.memory_space<vmem>> -> memref<1x112xi32, #tpu.memory_space<vmem>>
        %dma_start3A_95 = tpu.memref_squeeze %dma_start3A_94 : memref<1x112xi32, #tpu.memory_space<vmem>> -> memref<112xi32, #tpu.memory_space<vmem>>
        %dma_start3A_96 = arith.constant 0 : i32
        %dma_start3A_97 = arith.constant 0 : i32
        %dma_start3A_98 = tpu.memref_slice %arg5[%dma_start3A_96, %dma_start3A_97] : memref<10240x64xf32, #tpu.memory_space<vmem_shared>> -> memref<10240x64xf32, #tpu.memory_space<vmem_shared>>
        tpu.enqueue_indirect_dma source(%arg10 : memref<112x64xf32, #tpu.memory_space<vmem>>) target(%dma_start3A_98 : memref<10240x64xf32, #tpu.memory_space<vmem_shared>>) offsets(%dma_start3A_95 : memref<112xi32, #tpu.memory_space<vmem>>) semaphore(%run_scoped3A_92 : memref<!tpu.dma_semaphore, #tpu.memory_space<semaphore_mem>>) {add = true}
        %dma_wait3A_99 = arith.constant 0 : i32
        %dma_wait3A_100 = tpu.memref_slice %arg7[%add3A_72, %dma_wait3A_99] : memref<180x112xi32, #tpu.memory_space<vmem>> -> memref<1x112xi32, #tpu.memory_space<vmem>>
        %dma_wait3A_101 = tpu.memref_squeeze %dma_wait3A_100 : memref<1x112xi32, #tpu.memory_space<vmem>> -> memref<112xi32, #tpu.memory_space<vmem>>
        %dma_wait3A_102 = arith.constant 0 : i32
        %dma_wait3A_103 = arith.constant 0 : i32
        %dma_wait3A_104 = tpu.memref_slice %arg5[%dma_wait3A_102, %dma_wait3A_103] : memref<10240x64xf32, #tpu.memory_space<vmem_shared>> -> memref<10240x64xf32, #tpu.memory_space<vmem_shared>>
        tpu.wait_indirect_dma semaphore(%run_scoped3A_92 : memref<!tpu.dma_semaphore, #tpu.memory_space<semaphore_mem>>) src(%arg10 : memref<112x64xf32, #tpu.memory_space<vmem>>) dst(%dma_wait3A_104 : memref<10240x64xf32, #tpu.memory_space<vmem_shared>>)
        tpu.yield
      }) : () -> ()
    }
    %scan3A_26 = arith.constant 60 : i32
    %barrier3A_27 = arith.constant 0 : index
    tpu.barrier barrier_id(%barrier3A_27)
    "tpu.region"() ({
      %run_scoped3A_28 = tpu.sem_alloc : memref<!tpu.dma_semaphore, #tpu.memory_space<semaphore_mem>>
      %dma_start3A_29 = arith.constant 0 : i32
      %dma_start3A_30 = tpu.memref_slice %arg4[%arg0, %mul3A_0, %dma_start3A_29] : memref<2x10240x64xf32, #tpu.memory_space<hbm>> -> memref<1x640x64xf32, #tpu.memory_space<hbm>>
      %dma_start3A_31 = tpu.memref_squeeze %dma_start3A_30 : memref<1x640x64xf32, #tpu.memory_space<hbm>> -> memref<640x64xf32, #tpu.memory_space<hbm>>
      %dma_start3A_32 = arith.constant 0 : i32
      %dma_start3A_33 = tpu.memref_slice %arg5[%mul3A_0, %dma_start3A_32] : memref<10240x64xf32, #tpu.memory_space<vmem_shared>> -> memref<640x64xf32, #tpu.memory_space<vmem_shared>>
      tpu.enqueue_dma source(%dma_start3A_33 : memref<640x64xf32, #tpu.memory_space<vmem_shared>>) target(%dma_start3A_31 : memref<640x64xf32, #tpu.memory_space<hbm>>) target_semaphore(%run_scoped3A_28 : memref<!tpu.dma_semaphore, #tpu.memory_space<semaphore_mem>>)
      %dma_wait3A = arith.constant 0 : i32
      %dma_wait3A_34 = tpu.memref_slice %arg4[%arg0, %mul3A_0, %dma_wait3A] : memref<2x10240x64xf32, #tpu.memory_space<hbm>> -> memref<1x640x64xf32, #tpu.memory_space<hbm>>
      %dma_wait3A_35 = tpu.memref_squeeze %dma_wait3A_34 : memref<1x640x64xf32, #tpu.memory_space<hbm>> -> memref<640x64xf32, #tpu.memory_space<hbm>>
      %dma_wait3A_36 = arith.constant 0 : i32
      %dma_wait3A_37 = tpu.memref_slice %arg5[%mul3A_0, %dma_wait3A_36] : memref<10240x64xf32, #tpu.memory_space<vmem_shared>> -> memref<640x64xf32, #tpu.memory_space<vmem_shared>>
      tpu.wait_dma2 semaphore(%run_scoped3A_28 : memref<!tpu.dma_semaphore, #tpu.memory_space<semaphore_mem>>) src(%dma_wait3A_37 : memref<640x64xf32, #tpu.memory_space<vmem_shared>>) dst(%dma_wait3A_35 : memref<640x64xf32, #tpu.memory_space<hbm>>)
      tpu.yield
    }) : () -> ()
    return
  }
}

module attributes {stable_mosaic.version = 14 : i64} {
  func.func @_tc1_body(%arg0: i32, %arg1: memref<10240x128xf32, #tpu.memory_space<vmem>>, %arg2: memref<1x128x64xf32, #tpu.memory_space<vmem>>, %arg3: memref<10240x2xf32, #tpu.memory_space<vmem>>, %arg4: memref<1x10240x64xf32, #tpu.memory_space<vmem>>, %arg5: memref<10240x1xf32, #tpu.memory_space<vmem>>) attributes {dimension_semantics = [#tpu.dimension_semantics<arbitrary>], iteration_bounds = array<i64: 2>, scalar_prefetch = 0 : i64, scratch_operands = 0 : i64, tpu.core_type = #tpu.core_type<tc>, window_params = [{pipeline_mode = #tpu.pipeline_mode<synchronous>, transform_indices = @transform_0, window_bounds = array<i64: 10240, 128>}, {transform_indices = @transform_1, window_bounds = array<i64: 1, 128, 64>}, {pipeline_mode = #tpu.pipeline_mode<synchronous>, transform_indices = @transform_2, window_bounds = array<i64: 10240, 2>}, {transform_indices = @transform_3, window_bounds = array<i64: 1, 10240, 64>}, {pipeline_mode = #tpu.pipeline_mode<synchronous>, transform_indices = @transform_4, window_bounds = array<i64: 10240, 1>}]} {
    %get3A = arith.constant 0 : index
    %get3A_0 = arith.constant 0 : index
    %get3A_1 = vector.load %arg3[%get3A, %get3A_0] : memref<10240x2xf32, #tpu.memory_space<vmem>>, vector<10240x1xf32>
    %get3A_2 = arith.constant 0 : index
    %get3A_3 = arith.constant 1 : index
    %get3A_4 = vector.load %arg3[%get3A_2, %get3A_3] : memref<10240x2xf32, #tpu.memory_space<vmem>>, vector<10240x1xf32>
    %add3A = arith.addf %get3A_1, %get3A_4 : vector<10240x1xf32>
    %add3A_5 = arith.constant 1.000000e+00 : f32
    %add3A_6 = vector.broadcast %add3A_5 : f32 to vector<10240x1xf32>
    %add3A_7 = arith.addf %add3A, %add3A_6 : vector<10240x1xf32>
    %rsqrt3A = math.rsqrt %add3A_7 : vector<10240x1xf32>
    %swap3A = arith.constant 0 : index
    %swap3A_8 = arith.constant 0 : index
    %swap3A_9 = vector.load %arg5[%swap3A, %swap3A_8] : memref<10240x1xf32, #tpu.memory_space<vmem>>, vector<10240x1xf32>
    tpu.vector_store %arg5[%swap3A, %swap3A_8], %rsqrt3A {strides = array<i32>} : memref<10240x1xf32, #tpu.memory_space<vmem>>, vector<10240x1xf32>,
    %get3A_10 = arith.constant 0 : index
    %get3A_11 = arith.constant 0 : index
    %get3A_12 = vector.load %arg1[%get3A_10, %get3A_11] : memref<10240x128xf32, #tpu.memory_space<vmem>>, vector<10240x128xf32>
    %get3A_13 = arith.constant 0 : index
    %get3A_14 = arith.constant 0 : index
    %get3A_15 = arith.constant 0 : index
    %get3A_16 = vector.load %arg2[%get3A_13, %get3A_14, %get3A_15] : memref<1x128x64xf32, #tpu.memory_space<vmem>>, vector<1x128x64xf32>
    %get3A_17 = vector.shape_cast %get3A_16 : vector<1x128x64xf32> to vector<128x64xf32>
    %dot_general3A = arith.constant dense<0.000000e+00> : vector<10240x64xf32>
    %dot_general3A_18 = tpu.matmul %get3A_12, %get3A_17, %dot_general3A {dimension_numbers = #tpu.dot_dimension_numbers<[1], [0], [0], [1], [0, 0, 1, 1], [], []>, transpose_lhs_hint = false} : vector<10240x128xf32>, vector<128x64xf32>, vector<10240x64xf32> -> vector<10240x64xf32>
    %mul3A = vector.broadcast %rsqrt3A : vector<10240x1xf32> to vector<10240x64xf32>
    %mul3A_19 = arith.mulf %dot_general3A_18, %mul3A : vector<10240x64xf32>
    %broadcast_in_dim3A = vector.shape_cast %mul3A_19 : vector<10240x64xf32> to vector<1x10240x64xf32>
    %swap3A_20 = arith.constant 0 : index
    %swap3A_21 = arith.constant 0 : index
    %swap3A_22 = arith.constant 0 : index
    %swap3A_23 = vector.load %arg4[%swap3A_20, %swap3A_21, %swap3A_22] : memref<1x10240x64xf32, #tpu.memory_space<vmem>>, vector<1x10240x64xf32>
    tpu.vector_store %arg4[%swap3A_20, %swap3A_21, %swap3A_22], %broadcast_in_dim3A {strides = array<i32>} : memref<1x10240x64xf32, #tpu.memory_space<vmem>>, vector<1x10240x64xf32>,
    return
  }
  func.func @transform_0(%arg0: i32) -> (i32, i32) {
    %c0_i32 = arith.constant 0 : i32
    %c0_i32_0 = arith.constant 0 : i32
    %c0_i32_1 = arith.constant 0 : i32
    return %c0_i32, %c0_i32_0 : i32, i32
  }
  func.func @transform_1(%arg0: i32) -> (i32, i32, i32) {
    %c0_i32 = arith.constant 0 : i32
    %c0_i32_0 = arith.constant 0 : i32
    %c0_i32_1 = arith.constant 0 : i32
    return %arg0, %c0_i32, %c0_i32_0 : i32, i32, i32
  }
  func.func @transform_2(%arg0: i32) -> (i32, i32) {
    %c0_i32 = arith.constant 0 : i32
    %c0_i32_0 = arith.constant 0 : i32
    %c0_i32_1 = arith.constant 0 : i32
    return %c0_i32, %c0_i32_0 : i32, i32
  }
  func.func @transform_3(%arg0: i32) -> (i32, i32, i32) {
    %c0_i32 = arith.constant 0 : i32
    %c0_i32_0 = arith.constant 0 : i32
    %c0_i32_1 = arith.constant 0 : i32
    return %arg0, %c0_i32, %c0_i32_0 : i32, i32, i32
  }
  func.func @transform_4(%arg0: i32) -> (i32, i32) {
    %c0_i32 = arith.constant 0 : i32
    %c0_i32_0 = arith.constant 0 : i32
    %c0_i32_1 = arith.constant 0 : i32
    return %c0_i32, %c0_i32_0 : i32, i32
  }
}

module attributes {stable_mosaic.version = 14 : i64} {
  func.func @_tc2_body(%arg0: memref<2x10240x64xf32, #tpu.memory_space<vmem>>, %arg1: memref<10240x1xf32, #tpu.memory_space<vmem>>, %arg2: memref<1x128xf32, #tpu.memory_space<vmem>>, %arg3: memref<128x8xf32, #tpu.memory_space<vmem>>, %arg4: memref<10240x8xf32, #tpu.memory_space<vmem>>) attributes {dimension_semantics = [], scalar_prefetch = 0 : i64, scratch_operands = 0 : i64, tpu.core_type = #tpu.core_type<tc>} {
    %get3A = arith.constant 0 : index
    %get3A_0 = arith.constant 0 : index
    %get3A_1 = vector.load %arg1[%get3A, %get3A_0] : memref<10240x1xf32, #tpu.memory_space<vmem>>, vector<10240x1xf32>
    %get3A_2 = arith.constant 0 : index
    %get3A_3 = arith.constant 0 : index
    %get3A_4 = arith.constant 0 : index
    %get3A_5 = vector.load %arg0[%get3A_2, %get3A_3, %get3A_4] : memref<2x10240x64xf32, #tpu.memory_space<vmem>>, vector<1x10240x64xf32>
    %get3A_6 = vector.shape_cast %get3A_5 : vector<1x10240x64xf32> to vector<10240x64xf32>
    %get3A_7 = arith.constant 1 : index
    %get3A_8 = arith.constant 0 : index
    %get3A_9 = arith.constant 0 : index
    %get3A_10 = vector.load %arg0[%get3A_7, %get3A_8, %get3A_9] : memref<2x10240x64xf32, #tpu.memory_space<vmem>>, vector<1x10240x64xf32>
    %get3A_11 = vector.shape_cast %get3A_10 : vector<1x10240x64xf32> to vector<10240x64xf32>
    %concatenate3A = tpu.concatenate %get3A_6, %get3A_11 in 1 : vector<10240x64xf32>, vector<10240x64xf32> -> vector<10240x128xf32>
    %mul3A = vector.broadcast %get3A_1 : vector<10240x1xf32> to vector<10240x128xf32>
    %mul3A_12 = arith.mulf %concatenate3A, %mul3A : vector<10240x128xf32>
    %get3A_13 = arith.constant 0 : index
    %get3A_14 = arith.constant 0 : index
    %get3A_15 = vector.load %arg2[%get3A_13, %get3A_14] : memref<1x128xf32, #tpu.memory_space<vmem>>, vector<1x128xf32>
    %add3A = vector.broadcast %get3A_15 : vector<1x128xf32> to vector<10240x128xf32>
    %add3A_16 = arith.addf %mul3A_12, %add3A : vector<10240x128xf32>
    %max3A = arith.constant 0.000000e+00 : f32
    %max3A_17 = vector.broadcast %max3A : f32 to vector<10240x128xf32>
    %max3A_18 = arith.maximumf %add3A_16, %max3A_17 : vector<10240x128xf32>
    %get3A_19 = arith.constant 0 : index
    %get3A_20 = arith.constant 0 : index
    %get3A_21 = vector.load %arg3[%get3A_19, %get3A_20] : memref<128x8xf32, #tpu.memory_space<vmem>>, vector<128x8xf32>
    %dot_general3A = arith.constant dense<0.000000e+00> : vector<10240x8xf32>
    %dot_general3A_22 = tpu.matmul %max3A_18, %get3A_21, %dot_general3A {dimension_numbers = #tpu.dot_dimension_numbers<[1], [0], [0], [1], [0, 0, 1, 1], [], []>, transpose_lhs_hint = false} : vector<10240x128xf32>, vector<128x8xf32>, vector<10240x8xf32> -> vector<10240x8xf32>
    %mul3A_23 = vector.broadcast %get3A_1 : vector<10240x1xf32> to vector<10240x8xf32>
    %mul3A_24 = arith.mulf %dot_general3A_22, %mul3A_23 : vector<10240x8xf32>
    %swap3A = arith.constant 0 : index
    %swap3A_25 = arith.constant 0 : index
    %swap3A_26 = vector.load %arg4[%swap3A, %swap3A_25] : memref<10240x8xf32, #tpu.memory_space<vmem>>, vector<10240x8xf32>
    tpu.vector_store %arg4[%swap3A, %swap3A_25], %mul3A_24 {strides = array<i32>} : memref<10240x8xf32, #tpu.memory_space<vmem>>, vector<10240x8xf32>,
    return
  }
}

module attributes {stable_mosaic.version = 14 : i64} {
  func.func @_tc3_body(%arg0: memref<2x10240x8xf32, #tpu.memory_space<vmem>>, %arg1: memref<10240x8xf32, #tpu.memory_space<vmem>>, %arg2: memref<10240x1xf32, #tpu.memory_space<vmem>>, %arg3: memref<1x8xf32, #tpu.memory_space<vmem>>, %arg4: memref<10240x8xf32, #tpu.memory_space<vmem>>) attributes {dimension_semantics = [], scalar_prefetch = 0 : i64, scratch_operands = 0 : i64, tpu.core_type = #tpu.core_type<tc>} {
    %get3A = arith.constant 0 : index
    %get3A_0 = arith.constant 0 : index
    %get3A_1 = arith.constant 0 : index
    %get3A_2 = vector.load %arg0[%get3A, %get3A_0, %get3A_1] : memref<2x10240x8xf32, #tpu.memory_space<vmem>>, vector<1x10240x8xf32>
    %get3A_3 = vector.shape_cast %get3A_2 : vector<1x10240x8xf32> to vector<10240x8xf32>
    %get3A_4 = arith.constant 1 : index
    %get3A_5 = arith.constant 0 : index
    %get3A_6 = arith.constant 0 : index
    %get3A_7 = vector.load %arg0[%get3A_4, %get3A_5, %get3A_6] : memref<2x10240x8xf32, #tpu.memory_space<vmem>>, vector<1x10240x8xf32>
    %get3A_8 = vector.shape_cast %get3A_7 : vector<1x10240x8xf32> to vector<10240x8xf32>
    %add3A = arith.addf %get3A_3, %get3A_8 : vector<10240x8xf32>
    %get3A_9 = arith.constant 0 : index
    %get3A_10 = arith.constant 0 : index
    %get3A_11 = vector.load %arg1[%get3A_9, %get3A_10] : memref<10240x8xf32, #tpu.memory_space<vmem>>, vector<10240x8xf32>
    %sub3A = arith.subf %add3A, %get3A_11 : vector<10240x8xf32>
    %get3A_12 = arith.constant 0 : index
    %get3A_13 = arith.constant 0 : index
    %get3A_14 = vector.load %arg2[%get3A_12, %get3A_13] : memref<10240x1xf32, #tpu.memory_space<vmem>>, vector<10240x1xf32>
    %mul3A = vector.broadcast %get3A_14 : vector<10240x1xf32> to vector<10240x8xf32>
    %mul3A_15 = arith.mulf %sub3A, %mul3A : vector<10240x8xf32>
    %get3A_16 = arith.constant 0 : index
    %get3A_17 = arith.constant 0 : index
    %get3A_18 = vector.load %arg3[%get3A_16, %get3A_17] : memref<1x8xf32, #tpu.memory_space<vmem>>, vector<1x8xf32>
    %add3A_19 = vector.broadcast %get3A_18 : vector<1x8xf32> to vector<10240x8xf32>
    %add3A_20 = arith.addf %mul3A_15, %add3A_19 : vector<10240x8xf32>
    %swap3A = arith.constant 0 : index
    %swap3A_21 = arith.constant 0 : index
    %swap3A_22 = vector.load %arg4[%swap3A, %swap3A_21] : memref<10240x8xf32, #tpu.memory_space<vmem>>, vector<10240x8xf32>
    tpu.vector_store %arg4[%swap3A, %swap3A_21], %add3A_20 {strides = array<i32>} : memref<10240x8xf32, #tpu.memory_space<vmem>>, vector<10240x8xf32>,
    return
  }
}

</mosaic_0001>

<sc_bundles>
// kernel: kernel.11.cloned.1.call-start
scs
__scs_entry_jumppad:
0x0: {  	(pc) =	sbr.rel $0x88, $3  }
0x1: {  	(tag) =	ssettag $0x0;
	lr =	simm.s32 $0x1  }
0x2: {  	[smem:$0x3F9B] =	sst lr;
	_ =	strace $0xD0000000  }
0x3: {  	_ = 	snop  }
0x4: {  	_ = 	snop  }
0x5: {  	_ = 	snop  }
0x6: {  	_ = 	snop  }
0x7: {  	_ = 	snop  }
__scs_overlays_trampoline_lowered:
0x8: {  	[smem:$0x3FAA] =	sst s0  }
0x9: {  	[smem:$0x3FAB] =	sst s1  }
0xa: {  	[smem:$0x3FAC] =	sst s2  }
0xb: {  	[smem:$0x3FAD] =	sst s3  }
0xc: {  	[smem:$0x3FAE] =	sst s4  }
0xd: {  	[smem:$0x3FAF] =	sst s5  }
0xe: {  	[smem:$0x3FB0] =	sst s6  }
0xf: {  	[smem:$0x3FB1] =	sst s7  }
0x10: {  	[smem:$0x3FB2] =	sst s8  }
0x11: {  	[smem:$0x3FB3] =	sst s9;
	s0 =	simm.s32 @!p0 $0x0  }
0x12: {  	s1 =	sld [smem:$0x3F99];
	s0 =	simm.s32 @p0 $0x1  }
0x13: {  	[smem:$0x3FB4] =	sst s0;
	s0 =	simm.s32 @!p1 $0x0  }
0x14: {  	s2 =	sld [smem:$0x3F98];
	s0 =	simm.s32 @p1 $0x1  }
0x15: {  	[smem:$0x3FB5] =	sst s0;
	s0 =	simm.s32 @!p2 $0x0  }
0x16: {  	s3 =	sld [smem:$0x3FDB];
	s0 =	simm.s32 @p2 $0x1  }
0x17: {  	s4 =	simm.s32 $0x1BF5;
	[smem:$0x3FB7] =	sst s0  }
0x18: {  	s0 =	sld [smem:$0x3F9A];
	_ =	swait.ge [sflag:s4], $0x0  }
0x19: {  	s7 =	sld [smem:$0x3F9B]  }
0x1a: {  	s8 =	sadd.s32 $0xFFFFE003, lr  }
0x1b: {  	s9 =	sadd.s32 $0xFFFFFEF7, lr;
	s5 =	simm.s32 $0xFFFFFFFF;
	p2 =	slt.u32 s8, $0xFFFFF086  }
0x1c: {  	p1 =	slt.u32 s9, $0xF7A;
	s5 =	simm.s32 @!p2 $0x0  }
0x1d: {  	s5 =	simm.s32 @p1 $0x1;
	p0 =	seq.s32 s7, s2  }
0x1e: {  	s7 =	smul.u32 @!p0 $0xF7A, s2;
	p2 =	seq.s32 @!p0 s5, $0x0  }
0x1f: {  	s9 =	smul.u32 $0xF7A, s1;
	s8 =	simm.s32 @!p0 $0x1BF5;
	p2 =	por !p2, p0  }
0x20: {  	[sflag:s8] =	ssyncset.s32 @!p0 $0xFFFFF086;
	s6 =	sadd.s32 @!p0 s3, s7;
	s7 =	simm.s32 @!p0 $0x108  }
0x21: {  	s3 =	sadd.s32 s3, s9;
	s6 =	sadd.s32 @!p0 $0x88, s6;
	s7 =	simm.s32 @p2 $0x1082  }
0x22: {  	[simem:s7], [sflag:s8] =	dma.local @!p0 [hbm:s6], $0xF7A  }
0x23: {  	s9 =	sor.u32 $0xD0000000, s2;
	s6 =	simm.s32 $0x108;
	_ =	swait.ge @!p0 [sflag:s8], $0x0  }
0x24: {  	s3 =	sadd.s32 $0x88, s3;
	s6 =	simm.s32 @!p1 $0x1082;
	[sflag:s4] =	ssyncset.s32 $0xFFFFF086  }
0x25: {  	[simem:s6], [sflag:s4] =	dma.local [hbm:s3], $0xF7A  }
0x26: {  	[smem:$0x3F9B] =	sst s1;
	(tag) =	ssettag s2;
	_ =	strace s9  }
0x27: {  	s1 =	sld [smem:$0x3FAB]  }
0x28: {  	s2 =	sld [smem:$0x3FAC]  }
0x29: {  	s4 =	sld [smem:$0x3FAE]  }
0x2a: {  	p0 =	seq.s32 s5, $0x0;
	s5 =	sld [smem:$0x3FAF]  }
0x2b: {  	s6 =	sld [smem:$0x3FB0]  }
0x2c: {  	s7 =	sld [smem:$0x3FB1]  }
0x2d: {  	s3 =	simm.s32 $0x108;
	s8 =	sld [smem:$0x3FB2]  }
0x2e: {  	s3 =	simm.s32 @!p0 $0x1082;
	s9 =	sld [smem:$0x3FB3]  }
0x2f: {  	lr =	sadd.s32 s0, s3;
	s0 =	sld [smem:$0x3FAA]  }
0x30: {  	s3 =	sld [smem:$0x3FAD]  }
0x31: {  	[smem:$0x3FB6] =	sst s10  }
0x32: {  	s10 =	sld [smem:$0x3FB4];
	_ =	sdelay $0x3  }
0x33: {  	p0 =	seq.s32 s10, $0x1;
	s10 =	sld [smem:$0x3FB6];
	_ =	sdelay $0x3  }
0x34: {  	[smem:$0x3FB6] =	sst s10  }
0x35: {  	s10 =	sld [smem:$0x3FB5];
	_ =	sdelay $0x3  }
0x36: {  	p1 =	seq.s32 s10, $0x1;
	s10 =	sld [smem:$0x3FB6];
	_ =	sdelay $0x3  }
0x37: {  	[smem:$0x3FB6] =	sst s10  }
0x38: {  	s10 =	sld [smem:$0x3FB7]  }
0x39: {  	_ = 	snop;
	(pc) =	sbr.ind lr, $3  }
0x3a: {  	_ = 	snop  }
0x3b: {  	_ = 	snop  }
0x3c: {  	p2 =	seq.s32 s10, $0x1;
	s10 =	sld [smem:$0x3FB6]  }
0x3d: {  	_ =	shalt  }
0x3e: {  	_ =	shalt  }
0x3f: {  	_ =	shalt  }
0x40: {  	_ =	shalt  }
0x41: {  	_ =	shalt  }
0x42: {  	_ =	shalt  }
0x43: {  	_ =	shalt  }
0x44: {  	_ =	shalt  }
0x45: {  	_ =	shalt  }
0x46: {  	_ =	shalt  }
0x47: {  	_ =	shalt  }
0x48: {  	_ =	shalt  }
0x49: {  	_ =	shalt  }
0x4a: {  	_ =	shalt  }
0x4b: {  	_ =	shalt  }
0x4c: {  	_ =	shalt  }
0x4d: {  	_ =	shalt  }
0x4e: {  	_ =	shalt  }
0x4f: {  	_ =	shalt  }
0x50: {  	_ =	shalt  }
0x51: {  	_ =	shalt  }
0x52: {  	_ =	shalt  }
0x53: {  	_ =	shalt  }
0x54: {  	_ =	shalt  }
0x55: {  	_ =	shalt  }
0x56: {  	_ =	shalt  }
0x57: {  	_ =	shalt  }
0x58: {  	_ =	shalt  }
0x59: {  	_ =	shalt  }
0x5a: {  	_ =	shalt  }
0x5b: {  	_ =	shalt  }
0x5c: {  	_ =	shalt  }
0x5d: {  	_ =	shalt  }
0x5e: {  	_ =	shalt  }
0x5f: {  	_ =	shalt  }
0x60: {  	_ =	shalt  }
0x61: {  	_ =	shalt  }
0x62: {  	_ =	shalt  }
0x63: {  	_ =	shalt  }
0x64: {  	_ =	shalt  }
0x65: {  	_ =	shalt  }
0x66: {  	_ =	shalt  }
0x67: {  	_ =	shalt  }
0x68: {  	_ =	shalt  }
0x69: {  	_ =	shalt  }
0x6a: {  	_ =	shalt  }
0x6b: {  	_ =	shalt  }
0x6c: {  	_ =	shalt  }
0x6d: {  	_ =	shalt  }
0x6e: {  	_ =	shalt  }
0x6f: {  	_ =	shalt  }
0x70: {  	_ =	shalt  }
0x71: {  	_ =	shalt  }
0x72: {  	_ =	shalt  }
0x73: {  	_ =	shalt  }
0x74: {  	_ =	shalt  }
0x75: {  	_ =	shalt  }
0x76: {  	_ =	shalt  }
0x77: {  	_ =	shalt  }
0x78: {  	_ =	shalt  }
0x79: {  	_ =	shalt  }
0x7a: {  	_ =	shalt  }
0x7b: {  	_ =	shalt  }
0x7c: {  	_ =	shalt  }
0x7d: {  	_ =	shalt  }
0x7e: {  	_ =	shalt  }
0x7f: {  	_ =	shalt  }
0x80: {  	_ =	shalt  }
0x81: {  	_ =	shalt  }
0x82: {  	_ =	shalt  }
0x83: {  	_ =	shalt  }
0x84: {  	_ =	shalt  }
0x85: {  	_ =	shalt  }
0x86: {  	_ =	shalt  }
0x87: {  	_ =	shalt  }
.Lfunc_end0:
.L_simem_size_0:
called_computation.1_lowered:
.L_overlay_start_0:
0x88: {  	s2 =	sld [smem:$0x3FD9]  }
0x89: {  	s3 =	sld [smem:$0x3FFE];
	_ =	sdelay $0x1  }
0x8a: {  	s1 =	srdreg.scid  }
0x8b: {  	s0 =	sand.u32 $0x1, s1  }
0x8c: {  	s16 =	sshll.u32 s0, $0xA;
	s2 =	sadd.s32 s3, s2  }
0x8d: {  	s2 =	sadd.s32 s2, s16  }
0x8e: {  	[smem:$0x3FC2] =	sst s2  }
0x8f: {  	_ = 	snop  }
0x90: {  	(tm) =	ssettm $0x1  }
0x91: {  	s17 =	sld [smem:$0x3FFB];
	_ =	sdelay $0x3  }
0x92: {  	_ =	strace s17  }
0x93: {  	s2 =	sld [smem:$0x3FFC];
	_ =	sdelay $0x3  }
0x94: {  	_ =	strace s2  }
0x95: {  	s2 =	sld [smem:$0x3FFD];
	_ =	sdelay $0x3  }
0x96: {  	_ =	strace s2  }
0x97: {  	_ =	strace $0x8FFFFFFF  }
0x98: {  	s18 =	sld [smem:$0x3FDB];
	_ =	sdelay $0x1  }
0x99: {  	s19 =	simm.s32 $_scs_section_size  }
0x9a: {  	s4 =	simm.s32 $_size__tile_overlayer_lowered;
	s5 =	simm.s32 $_tile_overlayer_lowered  }
0x9b: {  	s22 =	simm.s32 $0x1BFF;
	s21 =	sshll.u32 s5, $0x1;
	s2 =	sadd.s32 s19, s18  }
0x9c: {  	s6 =	simm.s32 $0x0;
	s20 =	sshll.u32 s4, $0x1;
	s4 =	sadd.s32 s21, s2  }
0x9d: {  	[timem:s6], [sflag:s22] =	dma.local [hbm:s4], s20  }
0x9e: {  	_ =	swait.ge [sflag:s22], s20  }
0x9f: {  	s3 =	ssub.s32 $0x0, s20;
	[sflag:s22] =	ssyncset.done $0x0  }
0xa0: {  	[sflag:s22] =	ssyncadd.s32 s3;
	_ =	sdelay $0x1  }
0xa1: {  	s23 =	simm.s32 $0x1B8B  }
0xa2: {  	_ =	swait.ge [sflag:s23], $0x1  }
0xa3: {  	[sflag:s23] =	ssyncset.done $0x0  }
0xa4: {  	s25 =	simm.s32 $0x1B8E;
	s24 =	sld [smem:$0x3FFE];
	[sflag:s23] =	ssyncadd.s32 $0xFFFFFFFF  }
0xa5: {  	s26 =	simm.s32 $execute0_lowered;
	[smem:$0x3FD2] =	sst s25  }
0xa6: {  	s4 =	sshll.u32 s26, $0x1;
	_ =	strace $0x80000049;
	[dreg:$0x1] =	wrdreg $0xFFFFFFFF  }
0xa7: {  	s28 =	simm.s32 $_size_execute0_lowered;
	s2 =	sadd.s32 s2, s4;
	[dreg:$0x0] =	wrdreg $0x0  }
0xa8: {  	s4 =	sshll.u32 s28, $0x1;
	[dreg:$0x2] =	wrdreg s2  }
0xa9: {  	[dreg:$0x3] =	wrdreg s4  }
0xaa: {  	[dreg:$0x4] =	wrdreg $0xC0  }
0xab: {  	_ =	task [dreg:s6], $0x5FFFF  }
0xac: {  	[dreg:$0x1] =	wrdreg $0xFFFFFFFF  }
0xad: {  	[dreg:$0x0] =	wrdreg $0x60  }
0xae: {  	[dreg:$0x2] =	wrdreg s24  }
0xaf: {  	[dreg:$0x3] =	wrdreg $0x0  }
0xb0: {  	[dreg:$0x4] =	wrdreg $0x9  }
0xb1: {  	_ =	task.clear_ibuf [dreg:s6], $0x5FFFF;
	_ =	strace $0x90000049  }
0xb2: {  	s29 =	simm.s32 $0x9;
	_ =	strace $0x8000004B  }
0xb3: {  	_ =	swait.ge [sflag:s29], $0x1  }
0xb4: {  	[sflag:s29] =	ssyncadd.s32 $0xFFFFFFFF  }
0xb5: {  	_ =	strace $0x9000004B  }
0xb6: {  	_ =	sfence  }
0xb7: {  	s30 =	sld [smem:$0x0];
	_ =	sdelay $0x2  }
0xb8: {  	s31 =	sshll.u32 s1, $0xD;
	s1 =	sshrl.u32 s1, $0x2  }
0xb9: {  	s3 =	sand.u32 $0x4000, s31;
	s1 =	sadd.s32 s1, s30  }
0xba: {  	s0 =	sor.u32 s3, s0;
	s1 =	sshll.u32 s1, $0x11  }
0xbb: {  	s0 =	sor.u32 s1, s0  }
0xbc: {  	s0 =	sadd.s32 $0x8F2B, s0  }
0xbd: {  	[sflag:s0] =	ssyncadd.remote.s32 $0x1  }
0xbe: {  	_ =	sfence.sel $0xFFFF  }
0xbf: {  	[dreg:$0x0] =	wrdreg $0xFFFFFFFF;
	(pc) =	sbr.abs _section_cstart, $3  }
0xc0: {  	[dreg:$0x1] =	wrdreg $0xFFFFFFFF  }
0xc1: {  	_ =	task.clear_ibuf [dreg:s6], $0x2FFFF;
	_ =	strace $0x9FFFFFFF  }
0xc2: {  	(tm) =	ssettm $0x7FFFFFFF  }
0xc3: {  	_ =	shalt  }
tec
execute0_lowered:
.L_overlay_start_1:
0x0: {  	(tag) =	ssettag $0x1  }
0x1: {  	s4 =	rddreg [dreg:$0x0]  }
0x2: {  	s2 =	rddreg [dreg:$0x1]  }
0x3: {  	s0 =	stileid.u32;
	s5 =	srdreg.scid;
	s3 =	simm.s32 $0x0  }
0x4: {  	s14 =	simm.s32 $0xEEC0;
	s15 =	simm.s32 $0x70;
	s16 =	simm.s32 $0x13D80  }
0x5: {  	s17 =	simm.s32 $0xA070;
	s18 =	simm.s32 $0x15980;
	s19 =	simm.s32 $0x17580  }
0x6: {  	s20 =	simm.s32 $0x1;
	s21 =	simm.s32 $0x2;
	s22 =	simm.s32 $0x3  }
0x7: {  	s23 =	simm.s32 $0xEE50;
	s24 =	simm.s32 $0x13C30;
	s25 =	simm.s32 $0x13CA0  }
0x8: {  	s26 =	simm.s32 $0x13D10;
	s28 =	simm.s32 $0x0;
	s6 =	smul.u32 $0xA000, s0  }
0x9: {  	s5 =	sand.u32 $0x1, s5;
	[smem:$0x7FF] =	sst s3;
	s8 =	smul.u32 $0x4EC0, s0  }
0xa: {  	s9 =	sadd.s32 $0x65A00, s4;
	s30 =	sshll.u32 s0, $0x6;
	s7 =	smul.u32 $0xA0000, s5  }
0xb: {  	_ =	strace $0x8000004A;
	s5 =	ssub.s32 $0x2, s5;
	s8 =	sshrl.u32 s8, $0x3  }
0xc: {  	s11 =	sshrl.u32 s5, $0x1;
	s13 =	sadd.s32 s6, s2;
	s10 =	sadd.s32 s6, s7  }
0xd: {  	s8 =	sadd.s32 s8, s4;
	s11 =	ssub.s32 s5, s11;
	s5 =	sor.u32 $0x1C04, s30  }
0xe: {  	s31 =	sshrl.u32 s7, $0x3;
	s10 =	sshrl.u32 s10, $0x3;
	s6 =	sadd.s32 $0x1E00, s8  }
0xf: {  	s7 =	sadd.s32 $0xBB80, s8;
	s8 =	sadd.s32 s9, s31;
	s12 =	sadd.s32 s10, s4  }
0x10: {  	s4 =	sadd.s32 s9, s10;
	s10 =	smax.u32 s11, $0x1;
	s11 =	sshrl.u32 s13, $0x3  }
0x11: {  	s13 =	simm.s32 $0xA000;
	s9 =	sadd.s32 $0x15A00, s12;
	s12 =	simm.s32 $0x4  }
.LBB2_1:
0x12: {  	[spmem:s11], [sflag:s5] =	dma.local [hbm:s4], $0x1400  }
0x13: {  	_ =	swait.ge [sflag:s12], $0x1400  }
0x14: {  	[sflag:s12] =	ssyncset.done $0x0  }
0x15: {  	[sflag:s12] =	ssyncadd.s32 $0xFFFFEC00  }
0x16: {  	[tilespmem:s13], [sflag:$0x4] =	stream.linear.gather [hbm4b:s6+s3], $0x4EC0, $0x38;
	[tilespmem:$0x19180] =	vst v63  }
0x17: {  	_ =	swait.ge [sflag:s12], $0x4EC0  }
0x18: {  	[sflag:s12] =	ssyncset.done $0x0  }
0x19: {  	[sflag:s12] =	ssyncadd.s32 $0xFFFFB140  }
0x1a: {  	[tilespmem:s14], [sflag:$0x4] =	stream.linear.gather [hbm4b:s7+s3], $0x4EC0, $0x38;
	[tilespmem:$0x19180] =	vst v63  }
0x1b: {  	_ =	swait.ge [sflag:s12], $0x4EC0  }
0x1c: {  	[sflag:s12] =	ssyncset.done $0x0  }
0x1d: {  	[sflag:s12] =	ssyncadd.s32 $0xFFFFB140  }
0x1e: {  	[bflag:$0x0] =	sbarrier.arrive $0xFFFF  }
0x1f: {  	[tilespmem:s16], [sflag:$0x1] =	stream.indirect.gather [hbm4b:s8+s15], $0x40, s13, s15, $0xb8;
	[tilespmem:$0x19180] =	vst v63  }
0x20: {  	_ = 	snop  }
0x21: {  	[tilespmem:s18], [sflag:$0x2] =	stream.indirect.gather [hbm4b:s8+s15], $0x40, s17, s15, $0xb8;
	[tilespmem:$0x19180] =	vst v63  }
0x22: {  	s29 =	simm.s32 $0xA0E0  }
0x23: {  	[tilespmem:s19], [sflag:$0x3] =	stream.indirect.gather [hbm4b:s8+s15], $0x40, s29, s15, $0xb8;
	[tilespmem:$0x19180] =	vst v63  }
0x24: {  	_ =	swait.ge [sflag:s20], $0x1C00  }
0x25: {  	[sflag:s20] =	ssyncset.done $0x0  }
0x26: {  	s29 =	simm.s32 $0xEEC0;
	[sflag:s20] =	ssyncadd.s32 $0xFFFFE400  }
0x27: {  	[spmem:s2] =	stream.indirect.scatter.add.f32 [tilespmem:s16], [sflag:$0x4], $0x40, s29, s15, $0xb8;
	[tilespmem:$0x19180] =	vst v63  }
0x28: {  	_ =	swait.ge [sflag:s12], $0x1C00  }
0x29: {  	[sflag:s12] =	ssyncset.done $0x0  }
0x2a: {  	s29 =	simm.s32 $0xA150;
	[sflag:s12] =	ssyncadd.s32 $0xFFFFE400  }
0x2b: {  	[tilespmem:s16], [sflag:$0x1] =	stream.indirect.gather [hbm4b:s8+s15], $0x40, s29, s15, $0xb8;
	[tilespmem:$0x19180] =	vst v63  }
0x2c: {  	_ =	swait.ge [sflag:s21], $0x1C00  }
0x2d: {  	[sflag:s21] =	ssyncset.done $0x0  }
0x2e: {  	s29 =	simm.s32 $0xEF30;
	[sflag:s21] =	ssyncadd.s32 $0xFFFFE400  }
0x2f: {  	[spmem:s2] =	stream.indirect.scatter.add.f32 [tilespmem:s18], [sflag:$0x4], $0x40, s29, s15, $0xb8;
	[tilespmem:$0x19180] =	vst v63  }
0x30: {  	_ =	swait.ge [sflag:s12], $0x1C00  }
0x31: {  	[sflag:s12] =	ssyncset.done $0x0  }
0x32: {  	s29 =	simm.s32 $0xA1C0;
	[sflag:s12] =	ssyncadd.s32 $0xFFFFE400  }
0x33: {  	[tilespmem:s18], [sflag:$0x2] =	stream.indirect.gather [hbm4b:s8+s15], $0x40, s29, s15, $0xb8;
	[tilespmem:$0x19180] =	vst v63  }
0x34: {  	_ =	swait.ge [sflag:s22], $0x1C00  }
0x35: {  	[sflag:s22] =	ssyncset.done $0x0  }
0x36: {  	s29 =	simm.s32 $0xEFA0;
	[sflag:s22] =	ssyncadd.s32 $0xFFFFE400  }
0x37: {  	[spmem:s2] =	stream.indirect.scatter.add.f32 [tilespmem:s19], [sflag:$0x4], $0x40, s29, s15, $0xb8;
	[tilespmem:$0x19180] =	vst v63  }
0x38: {  	_ =	swait.ge [sflag:s12], $0x1C00  }
0x39: {  	s30 =	simm.s32 $0xA80;
	s29 =	simm.s32 $0x150;
	[sflag:s12] =	ssyncset.done $0x0  }
.LBB2_2:
0x3a: {  	s31 =	sadd.s32 $0xA0E0, s29  }
0x3b: {  	[sflag:s12] =	ssyncadd.s32 $0xFFFFE400;
	s0 =	smov.u32 s30;
	s1 =	sadd.s32 $0x540, s30  }
0x3c: {  	[tilespmem:s19], [sflag:$0x3] =	stream.indirect.gather [hbm4b:s8+s15], $0x40, s31, s15, $0xb8;
	[tilespmem:$0x19180] =	vst v63  }
0x3d: {  	p0 =	sne.s32 s30, $0x13080;
	_ =	swait.ge [sflag:s20], $0x1C00  }
0x3e: {  	[sflag:s20] =	ssyncset.done $0x0  }
0x3f: {  	s30 =	sadd.s32 $0xEEC0, s29;
	[sflag:s20] =	ssyncadd.s32 $0xFFFFE400  }
0x40: {  	[spmem:s2] =	stream.indirect.scatter.add.f32 [tilespmem:s16], [sflag:$0x4], $0x40, s30, s15, $0xb8;
	[tilespmem:$0x19180] =	vst v63  }
0x41: {  	_ =	swait.ge [sflag:s12], $0x1C00  }
0x42: {  	[sflag:s12] =	ssyncset.done $0x0  }
0x43: {  	s30 =	sadd.s32 $0xA150, s29;
	[sflag:s12] =	ssyncadd.s32 $0xFFFFE400  }
0x44: {  	[tilespmem:s16], [sflag:$0x1] =	stream.indirect.gather [hbm4b:s8+s15], $0x40, s30, s15, $0xb8;
	[tilespmem:$0x19180] =	vst v63  }
0x45: {  	_ =	swait.ge [sflag:s21], $0x1C00  }
0x46: {  	[sflag:s21] =	ssyncset.done $0x0  }
0x47: {  	s30 =	sadd.s32 $0xEF30, s29;
	[sflag:s21] =	ssyncadd.s32 $0xFFFFE400  }
0x48: {  	[spmem:s2] =	stream.indirect.scatter.add.f32 [tilespmem:s18], [sflag:$0x4], $0x40, s30, s15, $0xb8;
	[tilespmem:$0x19180] =	vst v63  }
0x49: {  	_ =	swait.ge [sflag:s12], $0x1C00  }
0x4a: {  	[sflag:s12] =	ssyncset.done $0x0  }
0x4b: {  	s30 =	sadd.s32 $0xA1C0, s29;
	[sflag:s12] =	ssyncadd.s32 $0xFFFFE400  }
0x4c: {  	[tilespmem:s18], [sflag:$0x2] =	stream.indirect.gather [hbm4b:s8+s15], $0x40, s30, s15, $0xb8;
	[tilespmem:$0x19180] =	vst v63  }
0x4d: {  	_ =	swait.ge [sflag:s22], $0x1C00  }
.Ltmp0:
0x4e: {  	[sflag:s22] =	ssyncset.done $0x0;
	(pc) =	sbr.rel @p0 .LBB2_2-.Ltmp0, $4  }
0x4f: {  	s29 =	sadd.s32 $0xEFA0, s29;
	[sflag:s22] =	ssyncadd.s32 $0xFFFFE400  }
0x50: {  	[spmem:s2] =	stream.indirect.scatter.add.f32 [tilespmem:s19], [sflag:$0x4], $0x40, s29, s15, $0xb8;
	[tilespmem:$0x19180] =	vst v63  }
0x51: {  	_ =	swait.ge [sflag:s12], $0x1C00  }
0x52: {  	s30 =	smov.u32 s1;
	s29 =	sshra.s32 s0, $0x2;
	[sflag:s12] =	ssyncset.done $0x0  }
0x53: {  	s0 =	sadd.s32 $0xA0E0, s29;
	[sflag:s12] =	ssyncadd.s32 $0xFFFFE400  }
0x54: {  	[tilespmem:s19], [sflag:$0x3] =	stream.indirect.gather [hbm4b:s8+s15], $0x40, s0, s15, $0xb8;
	[tilespmem:$0x19180] =	vst v63  }
0x55: {  	_ =	swait.ge [sflag:s20], $0x1C00  }
0x56: {  	[sflag:s20] =	ssyncset.done $0x0  }
0x57: {  	s30 =	sadd.s32 $0xEEC0, s29;
	[sflag:s20] =	ssyncadd.s32 $0xFFFFE400  }
0x58: {  	[spmem:s2] =	stream.indirect.scatter.add.f32 [tilespmem:s16], [sflag:$0x4], $0x40, s30, s15, $0xb8;
	[tilespmem:$0x19180] =	vst v63  }
0x59: {  	_ =	swait.ge [sflag:s12], $0x1C00  }
0x5a: {  	[sflag:s12] =	ssyncset.done $0x0  }
0x5b: {  	s31 =	sadd.s32 $0xA150, s29;
	[sflag:s12] =	ssyncadd.s32 $0xFFFFE400  }
0x5c: {  	[tilespmem:s16], [sflag:$0x1] =	stream.indirect.gather [hbm4b:s8+s15], $0x40, s31, s15, $0xb8;
	[tilespmem:$0x19180] =	vst v63  }
0x5d: {  	_ =	swait.ge [sflag:s21], $0x1C00  }
0x5e: {  	[sflag:s21] =	ssyncset.done $0x0  }
0x5f: {  	s1 =	sadd.s32 $0xEF30, s29;
	[sflag:s21] =	ssyncadd.s32 $0xFFFFE400  }
0x60: {  	[spmem:s2] =	stream.indirect.scatter.add.f32 [tilespmem:s18], [sflag:$0x4], $0x40, s1, s15, $0xb8;
	[tilespmem:$0x19180] =	vst v63  }
0x61: {  	_ =	swait.ge [sflag:s12], $0x1C00  }
0x62: {  	[sflag:s12] =	ssyncset.done $0x0  }
0x63: {  	s30 =	sadd.s32 $0xA1C0, s29;
	[sflag:s12] =	ssyncadd.s32 $0xFFFFE400  }
0x64: {  	[tilespmem:s18], [sflag:$0x2] =	stream.indirect.gather [hbm4b:s8+s15], $0x40, s30, s15, $0xb8;
	[tilespmem:$0x19180] =	vst v63  }
0x65: {  	_ =	swait.ge [sflag:s22], $0x1C00  }
0x66: {  	[sflag:s22] =	ssyncset.done $0x0  }
0x67: {  	s31 =	sadd.s32 $0xEFA0, s29;
	[sflag:s22] =	ssyncadd.s32 $0xFFFFE400  }
0x68: {  	[spmem:s2] =	stream.indirect.scatter.add.f32 [tilespmem:s19], [sflag:$0x4], $0x40, s31, s15, $0xb8;
	[tilespmem:$0x19180] =	vst v63  }
0x69: {  	_ =	swait.ge [sflag:s12], $0x1C00  }
0x6a: {  	[sflag:s12] =	ssyncset.done $0x0  }
0x6b: {  	[sflag:s12] =	ssyncadd.s32 $0xFFFFE400  }
0x6c: {  	[tilespmem:s19], [sflag:$0x3] =	stream.indirect.gather [hbm4b:s8+s15], $0x40, s23, s15, $0xb8;
	[tilespmem:$0x19180] =	vst v63  }
0x6d: {  	_ =	swait.ge [sflag:s20], $0x1C00  }
0x6e: {  	[sflag:s20] =	ssyncset.done $0x0  }
0x6f: {  	[sflag:s20] =	ssyncadd.s32 $0xFFFFE400  }
0x70: {  	[spmem:s2] =	stream.indirect.scatter.add.f32 [tilespmem:s16], [sflag:$0x4], $0x40, s24, s15, $0xb8;
	[tilespmem:$0x19180] =	vst v63  }
0x71: {  	_ =	swait.ge [sflag:s12], $0x1C00  }
0x72: {  	[sflag:s12] =	ssyncset.done $0x0  }
0x73: {  	[sflag:s12] =	ssyncadd.s32 $0xFFFFE400  }
0x74: {  	_ =	swait.ge [sflag:s21], $0x1C00  }
0x75: {  	[sflag:s21] =	ssyncset.done $0x0  }
0x76: {  	[sflag:s21] =	ssyncadd.s32 $0xFFFFE400  }
0x77: {  	[spmem:s2] =	stream.indirect.scatter.add.f32 [tilespmem:s18], [sflag:$0x4], $0x40, s25, s15, $0xb8;
	[tilespmem:$0x19180] =	vst v63  }
0x78: {  	_ =	swait.ge [sflag:s12], $0x1C00  }
0x79: {  	[sflag:s12] =	ssyncset.done $0x0  }
0x7a: {  	[sflag:s12] =	ssyncadd.s32 $0xFFFFE400  }
0x7b: {  	_ =	swait.ge [sflag:s22], $0x1C00  }
0x7c: {  	[sflag:s22] =	ssyncset.done $0x0  }
0x7d: {  	[sflag:s22] =	ssyncadd.s32 $0xFFFFE400  }
0x7e: {  	[spmem:s2] =	stream.indirect.scatter.add.f32 [tilespmem:s19], [sflag:$0x4], $0x40, s26, s15, $0xb8;
	[tilespmem:$0x19180] =	vst v63  }
0x7f: {  	_ =	swait.ge [sflag:s12], $0x1C00  }
0x80: {  	s28 =	sadd.s32 $0x1, s28;
	[sflag:s12] =	ssyncset.done $0x0  }
0x81: {  	p0 =	sne.s32 s28, s10;
	[sflag:s12] =	ssyncadd.s32 $0xFFFFE400  }
.Ltmp1:
0x82: {  	[bflag:$0x0] =	sbarrier.arrive $0xFFFF;
	(pc) =	sbr.rel @p0 .LBB2_1-.Ltmp1, $4  }
0x83: {  	[hbm:s9], [sflag:s5] =	dma.local [spmem:s11], $0x1400  }
0x84: {  	_ =	swait.ge [sflag:s12], $0x1400  }
0x85: {  	[sflag:s12] =	ssyncset.done $0x0  }
0x86: {  	[sflag:s12] =	ssyncadd.s32 $0xFFFFEC00  }
0x87: {  	_ =	sfence.sel $0x180000  }
0x88: {  	[bflag:$0x0] =	sbarrier.arrive $0xFFFF  }
0x89: {  	_ =	strace $0x9000004A  }
0x8a: {  	s0 =	stileid.u32;
	[bflag:$0x2] =	sbarrier.arrive $0xFFFF  }
0x8b: {  	p0 =	sne.s32 s0, $0x0;
	s0 =	rddreg [dreg:$0x2]  }
0x8c: {  	s0 =	sadd.s32 @!p0 $0x100000, s0  }
0x8d: {  	[sflag:s0] =	ssyncadd.tile.s32 @!p0 $0x1;
	_ =	shalt  }
.Lfunc_end2:
_tile_overlayer_lowered:
.L_overlay_start_2:
0x8e: {  	(tag) =	ssettag $0x2  }
0x8f: {  	s0 =	rddreg [dreg:$0x0];
	s2 =	stileid.u32  }
0x90: {  	s1 =	rddreg [dreg:$0x1];
	p0 =	sne.s32 s2, $0x0  }
0x91: {  	s3 =	rddreg [dreg:$0x2];
	[bflag:$0x3] =	sbarrier.arrive $0xFFFF;
	s2 =	simm.s32 @!p0 $0x1C04  }
0x92: {  	[timem:s3], [sflag:s2] =	dma.local @!p0 [hbm:s0], s1  }
0x93: {  	s0 =	simm.s32 @!p0 $0x4  }
0x94: {  	_ =	swait.ge @!p0 [sflag:s0], s1  }
0x95: {  	s1 =	ssub.s32 @!p0 $0x0, s1;
	[sflag:s0] =	ssyncset.done @!p0 $0x0  }
0x96: {  	[sflag:s0] =	ssyncadd.s32 @!p0 s1  }
0x97: {  	[bflag:$0x3] =	sbarrier.arrive $0xFFFF  }
0x98: {  	_ =	shalt  }

// kernel: kernel.14.cloned.1.call-start
scs
__scs_entry_jumppad:
0x0: {  	(pc) =	sbr.rel $0x88, $3  }
0x1: {  	(tag) =	ssettag $0x0;
	lr =	simm.s32 $0x1  }
0x2: {  	[smem:$0x3F9B] =	sst lr;
	_ =	strace $0xD0000000  }
0x3: {  	_ = 	snop  }
0x4: {  	_ = 	snop  }
0x5: {  	_ = 	snop  }
0x6: {  	_ = 	snop  }
0x7: {  	_ = 	snop  }
__scs_overlays_trampoline_lowered:
0x8: {  	[smem:$0x3FAA] =	sst s0  }
0x9: {  	[smem:$0x3FAB] =	sst s1  }
0xa: {  	[smem:$0x3FAC] =	sst s2  }
0xb: {  	[smem:$0x3FAD] =	sst s3  }
0xc: {  	[smem:$0x3FAE] =	sst s4  }
0xd: {  	[smem:$0x3FAF] =	sst s5  }
0xe: {  	[smem:$0x3FB0] =	sst s6  }
0xf: {  	[smem:$0x3FB1] =	sst s7  }
0x10: {  	[smem:$0x3FB2] =	sst s8  }
0x11: {  	[smem:$0x3FB3] =	sst s9;
	s0 =	simm.s32 @!p0 $0x0  }
0x12: {  	s1 =	sld [smem:$0x3F99];
	s0 =	simm.s32 @p0 $0x1  }
0x13: {  	[smem:$0x3FB4] =	sst s0;
	s0 =	simm.s32 @!p1 $0x0  }
0x14: {  	s2 =	sld [smem:$0x3F98];
	s0 =	simm.s32 @p1 $0x1  }
0x15: {  	[smem:$0x3FB5] =	sst s0;
	s0 =	simm.s32 @!p2 $0x0  }
0x16: {  	s3 =	sld [smem:$0x3FDB];
	s0 =	simm.s32 @p2 $0x1  }
0x17: {  	s4 =	simm.s32 $0x1BF5;
	[smem:$0x3FB7] =	sst s0  }
0x18: {  	s0 =	sld [smem:$0x3F9A];
	_ =	swait.ge [sflag:s4], $0x0  }
0x19: {  	s7 =	sld [smem:$0x3F9B]  }
0x1a: {  	s8 =	sadd.s32 $0xFFFFE003, lr  }
0x1b: {  	s9 =	sadd.s32 $0xFFFFFEF7, lr;
	s5 =	simm.s32 $0xFFFFFFFF;
	p2 =	slt.u32 s8, $0xFFFFF086  }
0x1c: {  	p1 =	slt.u32 s9, $0xF7A;
	s5 =	simm.s32 @!p2 $0x0  }
0x1d: {  	s5 =	simm.s32 @p1 $0x1;
	p0 =	seq.s32 s7, s2  }
0x1e: {  	s7 =	smul.u32 @!p0 $0xF7A, s2;
	p2 =	seq.s32 @!p0 s5, $0x0  }
0x1f: {  	s9 =	smul.u32 $0xF7A, s1;
	s8 =	simm.s32 @!p0 $0x1BF5;
	p2 =	por !p2, p0  }
0x20: {  	[sflag:s8] =	ssyncset.s32 @!p0 $0xFFFFF086;
	s6 =	sadd.s32 @!p0 s3, s7;
	s7 =	simm.s32 @!p0 $0x108  }
0x21: {  	s3 =	sadd.s32 s3, s9;
	s6 =	sadd.s32 @!p0 $0x88, s6;
	s7 =	simm.s32 @p2 $0x1082  }
0x22: {  	[simem:s7], [sflag:s8] =	dma.local @!p0 [hbm:s6], $0xF7A  }
0x23: {  	s9 =	sor.u32 $0xD0000000, s2;
	s6 =	simm.s32 $0x108;
	_ =	swait.ge @!p0 [sflag:s8], $0x0  }
0x24: {  	s3 =	sadd.s32 $0x88, s3;
	s6 =	simm.s32 @!p1 $0x1082;
	[sflag:s4] =	ssyncset.s32 $0xFFFFF086  }
0x25: {  	[simem:s6], [sflag:s4] =	dma.local [hbm:s3], $0xF7A  }
0x26: {  	[smem:$0x3F9B] =	sst s1;
	(tag) =	ssettag s2;
	_ =	strace s9  }
0x27: {  	s1 =	sld [smem:$0x3FAB]  }
0x28: {  	s2 =	sld [smem:$0x3FAC]  }
0x29: {  	s4 =	sld [smem:$0x3FAE]  }
0x2a: {  	p0 =	seq.s32 s5, $0x0;
	s5 =	sld [smem:$0x3FAF]  }
0x2b: {  	s6 =	sld [smem:$0x3FB0]  }
0x2c: {  	s7 =	sld [smem:$0x3FB1]  }
0x2d: {  	s3 =	simm.s32 $0x108;
	s8 =	sld [smem:$0x3FB2]  }
0x2e: {  	s3 =	simm.s32 @!p0 $0x1082;
	s9 =	sld [smem:$0x3FB3]  }
0x2f: {  	lr =	sadd.s32 s0, s3;
	s0 =	sld [smem:$0x3FAA]  }
0x30: {  	s3 =	sld [smem:$0x3FAD]  }
0x31: {  	[smem:$0x3FB6] =	sst s10  }
0x32: {  	s10 =	sld [smem:$0x3FB4];
	_ =	sdelay $0x3  }
0x33: {  	p0 =	seq.s32 s10, $0x1;
	s10 =	sld [smem:$0x3FB6];
	_ =	sdelay $0x3  }
0x34: {  	[smem:$0x3FB6] =	sst s10  }
0x35: {  	s10 =	sld [smem:$0x3FB5];
	_ =	sdelay $0x3  }
0x36: {  	p1 =	seq.s32 s10, $0x1;
	s10 =	sld [smem:$0x3FB6];
	_ =	sdelay $0x3  }
0x37: {  	[smem:$0x3FB6] =	sst s10  }
0x38: {  	s10 =	sld [smem:$0x3FB7]  }
0x39: {  	_ = 	snop;
	(pc) =	sbr.ind lr, $3  }
0x3a: {  	_ = 	snop  }
0x3b: {  	_ = 	snop  }
0x3c: {  	p2 =	seq.s32 s10, $0x1;
	s10 =	sld [smem:$0x3FB6]  }
0x3d: {  	_ =	shalt  }
0x3e: {  	_ =	shalt  }
0x3f: {  	_ =	shalt  }
0x40: {  	_ =	shalt  }
0x41: {  	_ =	shalt  }
0x42: {  	_ =	shalt  }
0x43: {  	_ =	shalt  }
0x44: {  	_ =	shalt  }
0x45: {  	_ =	shalt  }
0x46: {  	_ =	shalt  }
0x47: {  	_ =	shalt  }
0x48: {  	_ =	shalt  }
0x49: {  	_ =	shalt  }
0x4a: {  	_ =	shalt  }
0x4b: {  	_ =	shalt  }
0x4c: {  	_ =	shalt  }
0x4d: {  	_ =	shalt  }
0x4e: {  	_ =	shalt  }
0x4f: {  	_ =	shalt  }
0x50: {  	_ =	shalt  }
0x51: {  	_ =	shalt  }
0x52: {  	_ =	shalt  }
0x53: {  	_ =	shalt  }
0x54: {  	_ =	shalt  }
0x55: {  	_ =	shalt  }
0x56: {  	_ =	shalt  }
0x57: {  	_ =	shalt  }
0x58: {  	_ =	shalt  }
0x59: {  	_ =	shalt  }
0x5a: {  	_ =	shalt  }
0x5b: {  	_ =	shalt  }
0x5c: {  	_ =	shalt  }
0x5d: {  	_ =	shalt  }
0x5e: {  	_ =	shalt  }
0x5f: {  	_ =	shalt  }
0x60: {  	_ =	shalt  }
0x61: {  	_ =	shalt  }
0x62: {  	_ =	shalt  }
0x63: {  	_ =	shalt  }
0x64: {  	_ =	shalt  }
0x65: {  	_ =	shalt  }
0x66: {  	_ =	shalt  }
0x67: {  	_ =	shalt  }
0x68: {  	_ =	shalt  }
0x69: {  	_ =	shalt  }
0x6a: {  	_ =	shalt  }
0x6b: {  	_ =	shalt  }
0x6c: {  	_ =	shalt  }
0x6d: {  	_ =	shalt  }
0x6e: {  	_ =	shalt  }
0x6f: {  	_ =	shalt  }
0x70: {  	_ =	shalt  }
0x71: {  	_ =	shalt  }
0x72: {  	_ =	shalt  }
0x73: {  	_ =	shalt  }
0x74: {  	_ =	shalt  }
0x75: {  	_ =	shalt  }
0x76: {  	_ =	shalt  }
0x77: {  	_ =	shalt  }
0x78: {  	_ =	shalt  }
0x79: {  	_ =	shalt  }
0x7a: {  	_ =	shalt  }
0x7b: {  	_ =	shalt  }
0x7c: {  	_ =	shalt  }
0x7d: {  	_ =	shalt  }
0x7e: {  	_ =	shalt  }
0x7f: {  	_ =	shalt  }
0x80: {  	_ =	shalt  }
0x81: {  	_ =	shalt  }
0x82: {  	_ =	shalt  }
0x83: {  	_ =	shalt  }
0x84: {  	_ =	shalt  }
0x85: {  	_ =	shalt  }
0x86: {  	_ =	shalt  }
0x87: {  	_ =	shalt  }
.Lfunc_end0:
.L_simem_size_0:
called_computation.2_lowered:
.L_overlay_start_0:
0x88: {  	s2 =	sld [smem:$0x3FD9]  }
0x89: {  	s3 =	sld [smem:$0x3FFE];
	_ =	sdelay $0x1  }
0x8a: {  	s1 =	srdreg.scid  }
0x8b: {  	s0 =	sand.u32 $0x1, s1  }
0x8c: {  	s16 =	sshll.u32 s0, $0xA;
	s2 =	sadd.s32 s3, s2  }
0x8d: {  	s2 =	sadd.s32 s2, s16  }
0x8e: {  	[smem:$0x3FC2] =	sst s2  }
0x8f: {  	_ = 	snop  }
0x90: {  	(tm) =	ssettm $0x1  }
0x91: {  	s17 =	sld [smem:$0x3FFB];
	_ =	sdelay $0x3  }
0x92: {  	_ =	strace s17  }
0x93: {  	s2 =	sld [smem:$0x3FFC];
	_ =	sdelay $0x3  }
0x94: {  	_ =	strace s2  }
0x95: {  	s2 =	sld [smem:$0x3FFD];
	_ =	sdelay $0x3  }
0x96: {  	_ =	strace s2  }
0x97: {  	_ =	strace $0x8FFFFFFF  }
0x98: {  	s18 =	sld [smem:$0x3FDB];
	_ =	sdelay $0x1  }
0x99: {  	s19 =	simm.s32 $_scs_section_size  }
0x9a: {  	s4 =	simm.s32 $_size__tile_overlayer_lowered;
	s5 =	simm.s32 $_tile_overlayer_lowered  }
0x9b: {  	s22 =	simm.s32 $0x1BFF;
	s21 =	sshll.u32 s5, $0x1;
	s2 =	sadd.s32 s19, s18  }
0x9c: {  	s6 =	simm.s32 $0x0;
	s20 =	sshll.u32 s4, $0x1;
	s4 =	sadd.s32 s21, s2  }
0x9d: {  	[timem:s6], [sflag:s22] =	dma.local [hbm:s4], s20  }
0x9e: {  	_ =	swait.ge [sflag:s22], s20  }
0x9f: {  	s3 =	ssub.s32 $0x0, s20;
	[sflag:s22] =	ssyncset.done $0x0  }
0xa0: {  	[sflag:s22] =	ssyncadd.s32 s3;
	_ =	sdelay $0x1  }
0xa1: {  	s23 =	simm.s32 $0x1B8B  }
0xa2: {  	_ =	swait.ge [sflag:s23], $0x1  }
0xa3: {  	[sflag:s23] =	ssyncset.done $0x0  }
0xa4: {  	s25 =	simm.s32 $0x1B8E;
	s24 =	sld [smem:$0x3FFE];
	[sflag:s23] =	ssyncadd.s32 $0xFFFFFFFF  }
0xa5: {  	s26 =	simm.s32 $execute0_lowered;
	[smem:$0x3FD2] =	sst s25  }
0xa6: {  	s4 =	sshll.u32 s26, $0x1;
	_ =	strace $0x8000004C;
	[dreg:$0x1] =	wrdreg $0xFFFFFFFF  }
0xa7: {  	s28 =	simm.s32 $_size_execute0_lowered;
	s2 =	sadd.s32 s2, s4;
	[dreg:$0x0] =	wrdreg $0x0  }
0xa8: {  	s4 =	sshll.u32 s28, $0x1;
	[dreg:$0x2] =	wrdreg s2  }
0xa9: {  	[dreg:$0x3] =	wrdreg s4  }
0xaa: {  	[dreg:$0x4] =	wrdreg $0xC0  }
0xab: {  	_ =	task [dreg:s6], $0x5FFFF  }
0xac: {  	[dreg:$0x1] =	wrdreg $0xFFFFFFFF  }
0xad: {  	[dreg:$0x0] =	wrdreg $0x60  }
0xae: {  	[dreg:$0x2] =	wrdreg s24  }
0xaf: {  	[dreg:$0x3] =	wrdreg $0x0  }
0xb0: {  	[dreg:$0x4] =	wrdreg $0x9  }
0xb1: {  	_ =	task.clear_ibuf [dreg:s6], $0x5FFFF;
	_ =	strace $0x9000004C  }
0xb2: {  	s29 =	simm.s32 $0x9;
	_ =	strace $0x8000004E  }
0xb3: {  	_ =	swait.ge [sflag:s29], $0x1  }
0xb4: {  	[sflag:s29] =	ssyncadd.s32 $0xFFFFFFFF  }
0xb5: {  	_ =	strace $0x9000004E  }
0xb6: {  	_ =	sfence  }
0xb7: {  	s30 =	sld [smem:$0x0];
	_ =	sdelay $0x2  }
0xb8: {  	s31 =	sshll.u32 s1, $0xD;
	s1 =	sshrl.u32 s1, $0x2  }
0xb9: {  	s3 =	sand.u32 $0x4000, s31;
	s1 =	sadd.s32 s1, s30  }
0xba: {  	s0 =	sor.u32 s3, s0;
	s1 =	sshll.u32 s1, $0x11  }
0xbb: {  	s0 =	sor.u32 s1, s0  }
0xbc: {  	s0 =	sadd.s32 $0x8F2B, s0  }
0xbd: {  	[sflag:s0] =	ssyncadd.remote.s32 $0x1  }
0xbe: {  	_ =	sfence.sel $0xFFFF  }
0xbf: {  	[dreg:$0x0] =	wrdreg $0xFFFFFFFF;
	(pc) =	sbr.abs _section_cstart, $3  }
0xc0: {  	[dreg:$0x1] =	wrdreg $0xFFFFFFFF  }
0xc1: {  	_ =	task.clear_ibuf [dreg:s6], $0x2FFFF;
	_ =	strace $0x9FFFFFFF  }
0xc2: {  	(tm) =	ssettm $0x7FFFFFFF  }
0xc3: {  	_ =	shalt  }
tec
execute0_lowered:
.L_overlay_start_1:
0x0: {  	(tag) =	ssettag $0x1  }
0x1: {  	s5 =	rddreg [dreg:$0x0]  }
0x2: {  	s2 =	rddreg [dreg:$0x1];
	s3 =	srdreg.scid  }
0x3: {  	s0 =	stileid.u32;
	s13 =	simm.s32 $0x1400;
	s14 =	simm.s32 $0x3B60  }
0x4: {  	s15 =	simm.s32 $0x70;
	s16 =	simm.s32 $0x62C0;
	s17 =	simm.s32 $0x1470  }
0x5: {  	s18 =	simm.s32 $0x6640;
	s19 =	simm.s32 $0x69C0;
	s20 =	simm.s32 $0x1  }
0x6: {  	s21 =	simm.s32 $0x2;
	s22 =	simm.s32 $0x3;
	s23 =	simm.s32 $0x3AF0  }
0x7: {  	s24 =	simm.s32 $0x6170;
	s25 =	simm.s32 $0x61E0;
	s26 =	simm.s32 $0x6250  }
0x8: {  	s28 =	simm.s32 $0x0;
	s6 =	sand.u32 $0x1, s3;
	s4 =	sshll.u32 s0, $0x1  }
0x9: {  	s7 =	smul.u32 $0x1400, s0;
	s3 =	simm.s32 $0x0;
	s31 =	sshll.u32 s0, $0x6  }
0xa: {  	s4 =	sor.u32 s6, s4;
	s8 =	smul.u32 $0x14000, s6;
	[smem:$0x7FF] =	sst s3  }
0xb: {  	s6 =	ssub.s32 $0x2, s6;
	s9 =	smul.u32 $0x2760, s4;
	_ =	strace $0x8000004D  }
0xc: {  	s4 =	sadd.s32 $0x15A00, s5;
	s29 =	sshrl.u32 s6, $0x1;
	s30 =	sshrl.u32 s7, $0x3  }
0xd: {  	s12 =	sadd.s32 s7, s2;
	s8 =	sadd.s32 s7, s8;
	s11 =	ssub.s32 s6, s29  }
0xe: {  	s6 =	sor.u32 $0x1C04, s31;
	s9 =	sshrl.u32 s9, $0x3;
	s8 =	sshrl.u32 s8, $0x3  }
0xf: {  	s9 =	sadd.s32 s9, s5;
	s10 =	sadd.s32 s8, s5;
	s5 =	sadd.s32 s4, s30  }
0x10: {  	s7 =	sadd.s32 $0x1E00, s9;
	s8 =	sadd.s32 $0xBB80, s9;
	s9 =	sadd.s32 $0x18200, s10  }
0x11: {  	s10 =	smax.u32 s11, $0x1;
	s11 =	sshrl.u32 s12, $0x3;
	s12 =	simm.s32 $0x4  }
.LBB2_1:
0x12: {  	[spmem:s11], [sflag:s6] =	dma.local [hbm:s5], $0x280  }
0x13: {  	_ =	swait.ge [sflag:s12], $0x280  }
0x14: {  	[sflag:s12] =	ssyncset.done $0x0  }
0x15: {  	[sflag:s12] =	ssyncadd.s32 $0xFFFFFD80  }
0x16: {  	[tilespmem:s13], [sflag:$0x4] =	stream.linear.gather [hbm4b:s7+s3], $0x2760, $0x38;
	[tilespmem:$0x6D40] =	vst v63  }
0x17: {  	_ =	swait.ge [sflag:s12], $0x2760  }
0x18: {  	[sflag:s12] =	ssyncset.done $0x0  }
0x19: {  	[sflag:s12] =	ssyncadd.s32 $0xFFFFD8A0  }
0x1a: {  	[tilespmem:s14], [sflag:$0x4] =	stream.linear.gather [hbm4b:s8+s3], $0x2760, $0x38;
	[tilespmem:$0x6D40] =	vst v63  }
0x1b: {  	_ =	swait.ge [sflag:s12], $0x2760  }
0x1c: {  	[sflag:s12] =	ssyncset.done $0x0  }
0x1d: {  	[sflag:s12] =	ssyncadd.s32 $0xFFFFD8A0  }
0x1e: {  	[bflag:$0x0] =	sbarrier.arrive $0xFFFF  }
0x1f: {  	[tilespmem:s16], [sflag:$0x1] =	stream.indirect.gather [hbm4b:s4+s15], $0x8, s13, s15, $0xb8;
	[tilespmem:$0x6D40] =	vst v63  }
0x20: {  	_ = 	snop  }
0x21: {  	[tilespmem:s18], [sflag:$0x2] =	stream.indirect.gather [hbm4b:s4+s15], $0x8, s17, s15, $0xb8;
	[tilespmem:$0x6D40] =	vst v63  }
0x22: {  	s29 =	simm.s32 $0x14E0  }
0x23: {  	[tilespmem:s19], [sflag:$0x3] =	stream.indirect.gather [hbm4b:s4+s15], $0x8, s29, s15, $0xb8;
	[tilespmem:$0x6D40] =	vst v63  }
0x24: {  	_ =	swait.ge [sflag:s20], $0x380  }
0x25: {  	[sflag:s20] =	ssyncset.done $0x0  }
0x26: {  	s29 =	simm.s32 $0x3B60;
	[sflag:s20] =	ssyncadd.s32 $0xFFFFFC80  }
0x27: {  	[spmem:s2] =	stream.indirect.scatter.add.f32 [tilespmem:s16], [sflag:$0x4], $0x8, s29, s15, $0xb8;
	[tilespmem:$0x6D40] =	vst v63  }
0x28: {  	_ =	swait.ge [sflag:s12], $0x380  }
0x29: {  	[sflag:s12] =	ssyncset.done $0x0  }
0x2a: {  	s29 =	simm.s32 $0x1550;
	[sflag:s12] =	ssyncadd.s32 $0xFFFFFC80  }
0x2b: {  	[tilespmem:s16], [sflag:$0x1] =	stream.indirect.gather [hbm4b:s4+s15], $0x8, s29, s15, $0xb8;
	[tilespmem:$0x6D40] =	vst v63  }
0x2c: {  	_ =	swait.ge [sflag:s21], $0x380  }
0x2d: {  	[sflag:s21] =	ssyncset.done $0x0  }
0x2e: {  	s29 =	simm.s32 $0x3BD0;
	[sflag:s21] =	ssyncadd.s32 $0xFFFFFC80  }
0x2f: {  	[spmem:s2] =	stream.indirect.scatter.add.f32 [tilespmem:s18], [sflag:$0x4], $0x8, s29, s15, $0xb8;
	[tilespmem:$0x6D40] =	vst v63  }
0x30: {  	_ =	swait.ge [sflag:s12], $0x380  }
0x31: {  	[sflag:s12] =	ssyncset.done $0x0  }
0x32: {  	s29 =	simm.s32 $0x15C0;
	[sflag:s12] =	ssyncadd.s32 $0xFFFFFC80  }
0x33: {  	[tilespmem:s18], [sflag:$0x2] =	stream.indirect.gather [hbm4b:s4+s15], $0x8, s29, s15, $0xb8;
	[tilespmem:$0x6D40] =	vst v63  }
0x34: {  	_ =	swait.ge [sflag:s22], $0x380  }
0x35: {  	[sflag:s22] =	ssyncset.done $0x0  }
0x36: {  	s29 =	simm.s32 $0x3C40;
	[sflag:s22] =	ssyncadd.s32 $0xFFFFFC80  }
0x37: {  	[spmem:s2] =	stream.indirect.scatter.add.f32 [tilespmem:s19], [sflag:$0x4], $0x8, s29, s15, $0xb8;
	[tilespmem:$0x6D40] =	vst v63  }
0x38: {  	_ =	swait.ge [sflag:s12], $0x380  }
0x39: {  	s30 =	simm.s32 $0xA80;
	s29 =	simm.s32 $0x150;
	[sflag:s12] =	ssyncset.done $0x0  }
.LBB2_2:
0x3a: {  	s31 =	sadd.s32 $0x14E0, s29  }
0x3b: {  	[sflag:s12] =	ssyncadd.s32 $0xFFFFFC80;
	s0 =	smov.u32 s30;
	s1 =	sadd.s32 $0x540, s30  }
0x3c: {  	[tilespmem:s19], [sflag:$0x3] =	stream.indirect.gather [hbm4b:s4+s15], $0x8, s31, s15, $0xb8;
	[tilespmem:$0x6D40] =	vst v63  }
0x3d: {  	p0 =	sne.s32 s30, $0x9300;
	_ =	swait.ge [sflag:s20], $0x380  }
0x3e: {  	[sflag:s20] =	ssyncset.done $0x0  }
0x3f: {  	s30 =	sadd.s32 $0x3B60, s29;
	[sflag:s20] =	ssyncadd.s32 $0xFFFFFC80  }
0x40: {  	[spmem:s2] =	stream.indirect.scatter.add.f32 [tilespmem:s16], [sflag:$0x4], $0x8, s30, s15, $0xb8;
	[tilespmem:$0x6D40] =	vst v63  }
0x41: {  	_ =	swait.ge [sflag:s12], $0x380  }
0x42: {  	[sflag:s12] =	ssyncset.done $0x0  }
0x43: {  	s30 =	sadd.s32 $0x1550, s29;
	[sflag:s12] =	ssyncadd.s32 $0xFFFFFC80  }
0x44: {  	[tilespmem:s16], [sflag:$0x1] =	stream.indirect.gather [hbm4b:s4+s15], $0x8, s30, s15, $0xb8;
	[tilespmem:$0x6D40] =	vst v63  }
0x45: {  	_ =	swait.ge [sflag:s21], $0x380  }
0x46: {  	[sflag:s21] =	ssyncset.done $0x0  }
0x47: {  	s30 =	sadd.s32 $0x3BD0, s29;
	[sflag:s21] =	ssyncadd.s32 $0xFFFFFC80  }
0x48: {  	[spmem:s2] =	stream.indirect.scatter.add.f32 [tilespmem:s18], [sflag:$0x4], $0x8, s30, s15, $0xb8;
	[tilespmem:$0x6D40] =	vst v63  }
0x49: {  	_ =	swait.ge [sflag:s12], $0x380  }
0x4a: {  	[sflag:s12] =	ssyncset.done $0x0  }
0x4b: {  	s30 =	sadd.s32 $0x15C0, s29;
	[sflag:s12] =	ssyncadd.s32 $0xFFFFFC80  }
0x4c: {  	[tilespmem:s18], [sflag:$0x2] =	stream.indirect.gather [hbm4b:s4+s15], $0x8, s30, s15, $0xb8;
	[tilespmem:$0x6D40] =	vst v63  }
0x4d: {  	_ =	swait.ge [sflag:s22], $0x380  }
.Ltmp0:
0x4e: {  	[sflag:s22] =	ssyncset.done $0x0;
	(pc) =	sbr.rel @p0 .LBB2_2-.Ltmp0, $4  }
0x4f: {  	s29 =	sadd.s32 $0x3C40, s29;
	[sflag:s22] =	ssyncadd.s32 $0xFFFFFC80  }
0x50: {  	[spmem:s2] =	stream.indirect.scatter.add.f32 [tilespmem:s19], [sflag:$0x4], $0x8, s29, s15, $0xb8;
	[tilespmem:$0x6D40] =	vst v63  }
0x51: {  	_ =	swait.ge [sflag:s12], $0x380  }
0x52: {  	s30 =	smov.u32 s1;
	s29 =	sshra.s32 s0, $0x2;
	[sflag:s12] =	ssyncset.done $0x0  }
0x53: {  	s0 =	sadd.s32 $0x14E0, s29;
	[sflag:s12] =	ssyncadd.s32 $0xFFFFFC80  }
0x54: {  	[tilespmem:s19], [sflag:$0x3] =	stream.indirect.gather [hbm4b:s4+s15], $0x8, s0, s15, $0xb8;
	[tilespmem:$0x6D40] =	vst v63  }
0x55: {  	_ =	swait.ge [sflag:s20], $0x380  }
0x56: {  	[sflag:s20] =	ssyncset.done $0x0  }
0x57: {  	s30 =	sadd.s32 $0x3B60, s29;
	[sflag:s20] =	ssyncadd.s32 $0xFFFFFC80  }
0x58: {  	[spmem:s2] =	stream.indirect.scatter.add.f32 [tilespmem:s16], [sflag:$0x4], $0x8, s30, s15, $0xb8;
	[tilespmem:$0x6D40] =	vst v63  }
0x59: {  	_ =	swait.ge [sflag:s12], $0x380  }
0x5a: {  	[sflag:s12] =	ssyncset.done $0x0  }
0x5b: {  	s31 =	sadd.s32 $0x1550, s29;
	[sflag:s12] =	ssyncadd.s32 $0xFFFFFC80  }
0x5c: {  	[tilespmem:s16], [sflag:$0x1] =	stream.indirect.gather [hbm4b:s4+s15], $0x8, s31, s15, $0xb8;
	[tilespmem:$0x6D40] =	vst v63  }
0x5d: {  	_ =	swait.ge [sflag:s21], $0x380  }
0x5e: {  	[sflag:s21] =	ssyncset.done $0x0  }
0x5f: {  	s1 =	sadd.s32 $0x3BD0, s29;
	[sflag:s21] =	ssyncadd.s32 $0xFFFFFC80  }
0x60: {  	[spmem:s2] =	stream.indirect.scatter.add.f32 [tilespmem:s18], [sflag:$0x4], $0x8, s1, s15, $0xb8;
	[tilespmem:$0x6D40] =	vst v63  }
0x61: {  	_ =	swait.ge [sflag:s12], $0x380  }
0x62: {  	[sflag:s12] =	ssyncset.done $0x0  }
0x63: {  	s30 =	sadd.s32 $0x15C0, s29;
	[sflag:s12] =	ssyncadd.s32 $0xFFFFFC80  }
0x64: {  	[tilespmem:s18], [sflag:$0x2] =	stream.indirect.gather [hbm4b:s4+s15], $0x8, s30, s15, $0xb8;
	[tilespmem:$0x6D40] =	vst v63  }
0x65: {  	_ =	swait.ge [sflag:s22], $0x380  }
0x66: {  	[sflag:s22] =	ssyncset.done $0x0  }
0x67: {  	s31 =	sadd.s32 $0x3C40, s29;
	[sflag:s22] =	ssyncadd.s32 $0xFFFFFC80  }
0x68: {  	[spmem:s2] =	stream.indirect.scatter.add.f32 [tilespmem:s19], [sflag:$0x4], $0x8, s31, s15, $0xb8;
	[tilespmem:$0x6D40] =	vst v63  }
0x69: {  	_ =	swait.ge [sflag:s12], $0x380  }
0x6a: {  	[sflag:s12] =	ssyncset.done $0x0  }
0x6b: {  	[sflag:s12] =	ssyncadd.s32 $0xFFFFFC80  }
0x6c: {  	[tilespmem:s19], [sflag:$0x3] =	stream.indirect.gather [hbm4b:s4+s15], $0x8, s23, s15, $0xb8;
	[tilespmem:$0x6D40] =	vst v63  }
0x6d: {  	_ =	swait.ge [sflag:s20], $0x380  }
0x6e: {  	[sflag:s20] =	ssyncset.done $0x0  }
0x6f: {  	[sflag:s20] =	ssyncadd.s32 $0xFFFFFC80  }
0x70: {  	[spmem:s2] =	stream.indirect.scatter.add.f32 [tilespmem:s16], [sflag:$0x4], $0x8, s24, s15, $0xb8;
	[tilespmem:$0x6D40] =	vst v63  }
0x71: {  	_ =	swait.ge [sflag:s12], $0x380  }
0x72: {  	[sflag:s12] =	ssyncset.done $0x0  }
0x73: {  	[sflag:s12] =	ssyncadd.s32 $0xFFFFFC80  }
0x74: {  	_ =	swait.ge [sflag:s21], $0x380  }
0x75: {  	[sflag:s21] =	ssyncset.done $0x0  }
0x76: {  	[sflag:s21] =	ssyncadd.s32 $0xFFFFFC80  }
0x77: {  	[spmem:s2] =	stream.indirect.scatter.add.f32 [tilespmem:s18], [sflag:$0x4], $0x8, s25, s15, $0xb8;
	[tilespmem:$0x6D40] =	vst v63  }
0x78: {  	_ =	swait.ge [sflag:s12], $0x380  }
0x79: {  	[sflag:s12] =	ssyncset.done $0x0  }
0x7a: {  	[sflag:s12] =	ssyncadd.s32 $0xFFFFFC80  }
0x7b: {  	_ =	swait.ge [sflag:s22], $0x380  }
0x7c: {  	[sflag:s22] =	ssyncset.done $0x0  }
0x7d: {  	[sflag:s22] =	ssyncadd.s32 $0xFFFFFC80  }
0x7e: {  	[spmem:s2] =	stream.indirect.scatter.add.f32 [tilespmem:s19], [sflag:$0x4], $0x8, s26, s15, $0xb8;
	[tilespmem:$0x6D40] =	vst v63  }
0x7f: {  	_ =	swait.ge [sflag:s12], $0x380  }
0x80: {  	s28 =	sadd.s32 $0x1, s28;
	[sflag:s12] =	ssyncset.done $0x0  }
0x81: {  	p0 =	sne.s32 s28, s10;
	[sflag:s12] =	ssyncadd.s32 $0xFFFFFC80  }
.Ltmp1:
0x82: {  	[bflag:$0x0] =	sbarrier.arrive $0xFFFF;
	(pc) =	sbr.rel @p0 .LBB2_1-.Ltmp1, $4  }
0x83: {  	[hbm:s9], [sflag:s6] =	dma.local [spmem:s11], $0x280  }
0x84: {  	_ =	swait.ge [sflag:s12], $0x280  }
0x85: {  	[sflag:s12] =	ssyncset.done $0x0  }
0x86: {  	[sflag:s12] =	ssyncadd.s32 $0xFFFFFD80  }
0x87: {  	_ =	sfence.sel $0x180000  }
0x88: {  	[bflag:$0x0] =	sbarrier.arrive $0xFFFF  }
0x89: {  	_ =	strace $0x9000004D  }
0x8a: {  	s0 =	stileid.u32;
	[bflag:$0x2] =	sbarrier.arrive $0xFFFF  }
0x8b: {  	p0 =	sne.s32 s0, $0x0;
	s0 =	rddreg [dreg:$0x2]  }
0x8c: {  	s0 =	sadd.s32 @!p0 $0x100000, s0  }
0x8d: {  	[sflag:s0] =	ssyncadd.tile.s32 @!p0 $0x1;
	_ =	shalt  }
.Lfunc_end2:
_tile_overlayer_lowered:
.L_overlay_start_2:
0x8e: {  	(tag) =	ssettag $0x2  }
0x8f: {  	s0 =	rddreg [dreg:$0x0];
	s2 =	stileid.u32  }
0x90: {  	s1 =	rddreg [dreg:$0x1];
	p0 =	sne.s32 s2, $0x0  }
0x91: {  	s3 =	rddreg [dreg:$0x2];
	[bflag:$0x3] =	sbarrier.arrive $0xFFFF;
	s2 =	simm.s32 @!p0 $0x1C04  }
0x92: {  	[timem:s3], [sflag:s2] =	dma.local @!p0 [hbm:s0], s1  }
0x93: {  	s0 =	simm.s32 @!p0 $0x4  }
0x94: {  	_ =	swait.ge @!p0 [sflag:s0], s1  }
0x95: {  	s1 =	ssub.s32 @!p0 $0x0, s1;
	[sflag:s0] =	ssyncset.done @!p0 $0x0  }
0x96: {  	[sflag:s0] =	ssyncadd.s32 @!p0 s1  }
0x97: {  	[bflag:$0x3] =	sbarrier.arrive $0xFFFF  }
0x98: {  	_ =	shalt  }

// kernel: kernel.8.cloned.1.call-start
scs
__scs_entry_jumppad:
0x0: {  	(pc) =	sbr.rel $0x88, $3  }
0x1: {  	(tag) =	ssettag $0x0;
	lr =	simm.s32 $0x1  }
0x2: {  	[smem:$0x3F9B] =	sst lr;
	_ =	strace $0xD0000000  }
0x3: {  	_ = 	snop  }
0x4: {  	_ = 	snop  }
0x5: {  	_ = 	snop  }
0x6: {  	_ = 	snop  }
0x7: {  	_ = 	snop  }
__scs_overlays_trampoline_lowered:
0x8: {  	[smem:$0x3FAA] =	sst s0  }
0x9: {  	[smem:$0x3FAB] =	sst s1  }
0xa: {  	[smem:$0x3FAC] =	sst s2  }
0xb: {  	[smem:$0x3FAD] =	sst s3  }
0xc: {  	[smem:$0x3FAE] =	sst s4  }
0xd: {  	[smem:$0x3FAF] =	sst s5  }
0xe: {  	[smem:$0x3FB0] =	sst s6  }
0xf: {  	[smem:$0x3FB1] =	sst s7  }
0x10: {  	[smem:$0x3FB2] =	sst s8  }
0x11: {  	[smem:$0x3FB3] =	sst s9;
	s0 =	simm.s32 @!p0 $0x0  }
0x12: {  	s1 =	sld [smem:$0x3F99];
	s0 =	simm.s32 @p0 $0x1  }
0x13: {  	[smem:$0x3FB4] =	sst s0;
	s0 =	simm.s32 @!p1 $0x0  }
0x14: {  	s2 =	sld [smem:$0x3F98];
	s0 =	simm.s32 @p1 $0x1  }
0x15: {  	[smem:$0x3FB5] =	sst s0;
	s0 =	simm.s32 @!p2 $0x0  }
0x16: {  	s3 =	sld [smem:$0x3FDB];
	s0 =	simm.s32 @p2 $0x1  }
0x17: {  	s4 =	simm.s32 $0x1BF5;
	[smem:$0x3FB7] =	sst s0  }
0x18: {  	s0 =	sld [smem:$0x3F9A];
	_ =	swait.ge [sflag:s4], $0x0  }
0x19: {  	s7 =	sld [smem:$0x3F9B]  }
0x1a: {  	s8 =	sadd.s32 $0xFFFFE003, lr  }
0x1b: {  	s9 =	sadd.s32 $0xFFFFFEF7, lr;
	s5 =	simm.s32 $0xFFFFFFFF;
	p2 =	slt.u32 s8, $0xFFFFF086  }
0x1c: {  	p1 =	slt.u32 s9, $0xF7A;
	s5 =	simm.s32 @!p2 $0x0  }
0x1d: {  	s5 =	simm.s32 @p1 $0x1;
	p0 =	seq.s32 s7, s2  }
0x1e: {  	s7 =	smul.u32 @!p0 $0xF7A, s2;
	p2 =	seq.s32 @!p0 s5, $0x0  }
0x1f: {  	s9 =	smul.u32 $0xF7A, s1;
	s8 =	simm.s32 @!p0 $0x1BF5;
	p2 =	por !p2, p0  }
0x20: {  	[sflag:s8] =	ssyncset.s32 @!p0 $0xFFFFF086;
	s6 =	sadd.s32 @!p0 s3, s7;
	s7 =	simm.s32 @!p0 $0x108  }
0x21: {  	s3 =	sadd.s32 s3, s9;
	s6 =	sadd.s32 @!p0 $0x88, s6;
	s7 =	simm.s32 @p2 $0x1082  }
0x22: {  	[simem:s7], [sflag:s8] =	dma.local @!p0 [hbm:s6], $0xF7A  }
0x23: {  	s9 =	sor.u32 $0xD0000000, s2;
	s6 =	simm.s32 $0x108;
	_ =	swait.ge @!p0 [sflag:s8], $0x0  }
0x24: {  	s3 =	sadd.s32 $0x88, s3;
	s6 =	simm.s32 @!p1 $0x1082;
	[sflag:s4] =	ssyncset.s32 $0xFFFFF086  }
0x25: {  	[simem:s6], [sflag:s4] =	dma.local [hbm:s3], $0xF7A  }
0x26: {  	[smem:$0x3F9B] =	sst s1;
	(tag) =	ssettag s2;
	_ =	strace s9  }
0x27: {  	s1 =	sld [smem:$0x3FAB]  }
0x28: {  	s2 =	sld [smem:$0x3FAC]  }
0x29: {  	s4 =	sld [smem:$0x3FAE]  }
0x2a: {  	p0 =	seq.s32 s5, $0x0;
	s5 =	sld [smem:$0x3FAF]  }
0x2b: {  	s6 =	sld [smem:$0x3FB0]  }
0x2c: {  	s7 =	sld [smem:$0x3FB1]  }
0x2d: {  	s3 =	simm.s32 $0x108;
	s8 =	sld [smem:$0x3FB2]  }
0x2e: {  	s3 =	simm.s32 @!p0 $0x1082;
	s9 =	sld [smem:$0x3FB3]  }
0x2f: {  	lr =	sadd.s32 s0, s3;
	s0 =	sld [smem:$0x3FAA]  }
0x30: {  	s3 =	sld [smem:$0x3FAD]  }
0x31: {  	[smem:$0x3FB6] =	sst s10  }
0x32: {  	s10 =	sld [smem:$0x3FB4];
	_ =	sdelay $0x3  }
0x33: {  	p0 =	seq.s32 s10, $0x1;
	s10 =	sld [smem:$0x3FB6];
	_ =	sdelay $0x3  }
0x34: {  	[smem:$0x3FB6] =	sst s10  }
0x35: {  	s10 =	sld [smem:$0x3FB5];
	_ =	sdelay $0x3  }
0x36: {  	p1 =	seq.s32 s10, $0x1;
	s10 =	sld [smem:$0x3FB6];
	_ =	sdelay $0x3  }
0x37: {  	[smem:$0x3FB6] =	sst s10  }
0x38: {  	s10 =	sld [smem:$0x3FB7]  }
0x39: {  	_ = 	snop;
	(pc) =	sbr.ind lr, $3  }
0x3a: {  	_ = 	snop  }
0x3b: {  	_ = 	snop  }
0x3c: {  	p2 =	seq.s32 s10, $0x1;
	s10 =	sld [smem:$0x3FB6]  }
0x3d: {  	_ =	shalt  }
0x3e: {  	_ =	shalt  }
0x3f: {  	_ =	shalt  }
0x40: {  	_ =	shalt  }
0x41: {  	_ =	shalt  }
0x42: {  	_ =	shalt  }
0x43: {  	_ =	shalt  }
0x44: {  	_ =	shalt  }
0x45: {  	_ =	shalt  }
0x46: {  	_ =	shalt  }
0x47: {  	_ =	shalt  }
0x48: {  	_ =	shalt  }
0x49: {  	_ =	shalt  }
0x4a: {  	_ =	shalt  }
0x4b: {  	_ =	shalt  }
0x4c: {  	_ =	shalt  }
0x4d: {  	_ =	shalt  }
0x4e: {  	_ =	shalt  }
0x4f: {  	_ =	shalt  }
0x50: {  	_ =	shalt  }
0x51: {  	_ =	shalt  }
0x52: {  	_ =	shalt  }
0x53: {  	_ =	shalt  }
0x54: {  	_ =	shalt  }
0x55: {  	_ =	shalt  }
0x56: {  	_ =	shalt  }
0x57: {  	_ =	shalt  }
0x58: {  	_ =	shalt  }
0x59: {  	_ =	shalt  }
0x5a: {  	_ =	shalt  }
0x5b: {  	_ =	shalt  }
0x5c: {  	_ =	shalt  }
0x5d: {  	_ =	shalt  }
0x5e: {  	_ =	shalt  }
0x5f: {  	_ =	shalt  }
0x60: {  	_ =	shalt  }
0x61: {  	_ =	shalt  }
0x62: {  	_ =	shalt  }
0x63: {  	_ =	shalt  }
0x64: {  	_ =	shalt  }
0x65: {  	_ =	shalt  }
0x66: {  	_ =	shalt  }
0x67: {  	_ =	shalt  }
0x68: {  	_ =	shalt  }
0x69: {  	_ =	shalt  }
0x6a: {  	_ =	shalt  }
0x6b: {  	_ =	shalt  }
0x6c: {  	_ =	shalt  }
0x6d: {  	_ =	shalt  }
0x6e: {  	_ =	shalt  }
0x6f: {  	_ =	shalt  }
0x70: {  	_ =	shalt  }
0x71: {  	_ =	shalt  }
0x72: {  	_ =	shalt  }
0x73: {  	_ =	shalt  }
0x74: {  	_ =	shalt  }
0x75: {  	_ =	shalt  }
0x76: {  	_ =	shalt  }
0x77: {  	_ =	shalt  }
0x78: {  	_ =	shalt  }
0x79: {  	_ =	shalt  }
0x7a: {  	_ =	shalt  }
0x7b: {  	_ =	shalt  }
0x7c: {  	_ =	shalt  }
0x7d: {  	_ =	shalt  }
0x7e: {  	_ =	shalt  }
0x7f: {  	_ =	shalt  }
0x80: {  	_ =	shalt  }
0x81: {  	_ =	shalt  }
0x82: {  	_ =	shalt  }
0x83: {  	_ =	shalt  }
0x84: {  	_ =	shalt  }
0x85: {  	_ =	shalt  }
0x86: {  	_ =	shalt  }
0x87: {  	_ =	shalt  }
.Lfunc_end0:
.L_simem_size_0:
called_computation_lowered:
.L_overlay_start_0:
0x88: {  	s2 =	sld [smem:$0x3FD9]  }
0x89: {  	s3 =	sld [smem:$0x3FFE];
	_ =	sdelay $0x1  }
0x8a: {  	s1 =	srdreg.scid  }
0x8b: {  	s0 =	sand.u32 $0x1, s1  }
0x8c: {  	s17 =	sshll.u32 s0, $0xA;
	s2 =	sadd.s32 s3, s2  }
0x8d: {  	s2 =	sadd.s32 s2, s17  }
0x8e: {  	[smem:$0x3FC2] =	sst s2  }
0x8f: {  	_ = 	snop  }
0x90: {  	s2 =	sld [smem:$0x3FD0];
	(tm) =	ssettm $0x1  }
0x91: {  	s18 =	sld [smem:$0x3FFB];
	_ =	sdelay $0x3  }
0x92: {  	_ =	strace s18  }
0x93: {  	s3 =	sld [smem:$0x3FFC];
	_ =	sdelay $0x3  }
0x94: {  	_ =	strace s3  }
0x95: {  	s3 =	sld [smem:$0x3FFD];
	_ =	sdelay $0x3  }
0x96: {  	_ =	strace s3  }
0x97: {  	_ =	strace $0x8FFFFFFF  }
0x98: {  	s19 =	sld [smem:$0x3FDB];
	_ =	sdelay $0x1  }
0x99: {  	s4 =	simm.s32 $_scs_section_size  }
0x9a: {  	s5 =	simm.s32 $_size__tile_overlayer_lowered;
	s6 =	simm.s32 $_tile_overlayer_lowered  }
0x9b: {  	s22 =	simm.s32 $0x1BFF;
	s21 =	sshll.u32 s6, $0x1;
	s3 =	sadd.s32 s4, s19  }
0x9c: {  	s7 =	simm.s32 $0x0;
	s20 =	sshll.u32 s5, $0x1;
	s5 =	sadd.s32 s21, s3  }
0x9d: {  	[timem:s7], [sflag:s22] =	dma.local [hbm:s5], s20  }
0x9e: {  	_ =	swait.ge [sflag:s22], s20  }
0x9f: {  	s4 =	ssub.s32 $0x0, s20;
	[sflag:s22] =	ssyncset.done $0x0  }
0xa0: {  	[sflag:s22] =	ssyncadd.s32 s4;
	_ =	sdelay $0x1  }
0xa1: {  	s23 =	simm.s32 $0x1B8B  }
0xa2: {  	_ =	swait.ge [sflag:s23], $0x1  }
0xa3: {  	[sflag:s23] =	ssyncset.done $0x0  }
0xa4: {  	s25 =	simm.s32 $0x1B8E;
	s24 =	sld [smem:$0x3FFE];
	[sflag:s23] =	ssyncadd.s32 $0xFFFFFFFF  }
0xa5: {  	s26 =	simm.s32 $execute0_lowered;
	[smem:$0x3FD2] =	sst s25  }
0xa6: {  	s5 =	sshll.u32 s26, $0x1;
	_ =	strace $0x80000046;
	[dreg:$0x1] =	wrdreg $0xFFFFFFFF  }
0xa7: {  	s28 =	simm.s32 $_size_execute0_lowered;
	s3 =	sadd.s32 s3, s5;
	[dreg:$0x0] =	wrdreg $0x0  }
0xa8: {  	s5 =	sshll.u32 s28, $0x1;
	[dreg:$0x2] =	wrdreg s3  }
0xa9: {  	[dreg:$0x3] =	wrdreg s5  }
0xaa: {  	[dreg:$0x4] =	wrdreg $0xC0  }
0xab: {  	_ =	task [dreg:s7], $0x5FFFF  }
0xac: {  	[dreg:$0x1] =	wrdreg $0xFFFFFFFF  }
0xad: {  	[dreg:$0x0] =	wrdreg $0x60  }
0xae: {  	[dreg:$0x2] =	wrdreg s24  }
0xaf: {  	[dreg:$0x3] =	wrdreg s2  }
0xb0: {  	[dreg:$0x4] =	wrdreg $0x0  }
0xb1: {  	[dreg:$0x5] =	wrdreg $0x9  }
0xb2: {  	_ =	task.clear_ibuf [dreg:s7], $0x6FFFF;
	_ =	strace $0x90000046  }
0xb3: {  	s29 =	simm.s32 $0x9;
	_ =	strace $0x80000048  }
0xb4: {  	_ =	swait.ge [sflag:s29], $0x1  }
0xb5: {  	[sflag:s29] =	ssyncadd.s32 $0xFFFFFFFF  }
0xb6: {  	_ =	strace $0x90000048  }
0xb7: {  	_ =	sfence  }
0xb8: {  	s30 =	sld [smem:$0x0];
	_ =	sdelay $0x2  }
0xb9: {  	s31 =	sshll.u32 s1, $0xD;
	s1 =	sshrl.u32 s1, $0x2  }
0xba: {  	s3 =	sand.u32 $0x4000, s31;
	s1 =	sadd.s32 s1, s30  }
0xbb: {  	s0 =	sor.u32 s3, s0;
	s1 =	sshll.u32 s1, $0x11  }
0xbc: {  	s0 =	sor.u32 s1, s0  }
0xbd: {  	s0 =	sadd.s32 $0x8F2B, s0  }
0xbe: {  	[sflag:s0] =	ssyncadd.remote.s32 $0x1  }
0xbf: {  	_ =	sfence.sel $0xFFFF  }
0xc0: {  	[dreg:$0x0] =	wrdreg $0xFFFFFFFF;
	(pc) =	sbr.abs _section_cstart, $3  }
0xc1: {  	[dreg:$0x1] =	wrdreg $0xFFFFFFFF  }
0xc2: {  	_ =	task.clear_ibuf [dreg:s7], $0x2FFFF;
	_ =	strace $0x9FFFFFFF  }
0xc3: {  	(tm) =	ssettm $0x7FFFFFFF  }
tec
execute0_lowered:
.L_overlay_start_1:
0x0: {  	(tag) =	ssettag $0x1  }
0x1: {  	s5 =	rddreg [dreg:$0x0]  }
0x2: {  	s1 =	srdreg.scid;
	s6 =	rddreg [dreg:$0x1]  }
0x3: {  	s0 =	stileid.u32;
	s2 =	rddreg [dreg:$0x2]  }
0x4: {  	s3 =	simm.s32 $0x0;
	s11 =	simm.s32 $0x70;
	s12 =	simm.s32 $0x29E0  }
0x5: {  	s15 =	simm.s32 $0x0;
	s4 =	sand.u32 $0x1, s1;
	s1 =	rddreg [dreg:$0x3]  }
0x6: {  	s29 =	sshll.u32 s0, $0x1;
	s7 =	smul.u32 $0x280, s0;
	[smem:$0x7FF] =	sst s3  }
0x7: {  	s13 =	sshll.u32 s0, $0x6;
	s8 =	sor.u32 s4, s29;
	s9 =	ssub.s32 $0x2, s4  }
0x8: {  	s4 =	smul.u32 $0x2800, s4;
	_ =	strace $0x80000047;
	s10 =	sshrl.u32 s9, $0x1  }
0x9: {  	s13 =	sor.u32 $0x1C01, s13;
	s8 =	smul.u32 $0x2760, s8;
	s9 =	ssub.s32 s9, s10  }
0xa: {  	s30 =	sadd.s32 s7, s4;
	s4 =	sadd.s32 s7, s2;
	s10 =	simm.s32 $0x280  }
0xb: {  	s8 =	sshrl.u32 s8, $0x3;
	s31 =	sshrl.u32 s30, $0x3;
	s7 =	smax.u32 s9, $0x1  }
0xc: {  	s9 =	simm.s32 $0x1;
	s14 =	sshrl.u32 s4, $0x3;
	s5 =	sadd.s32 s5, s8  }
0xd: {  	v0 =	vimm.f32 $1.000000000e+00;
	v1 =	vimm.f32 $0.0e+00;
	s6 =	sadd.s32 s6, s31;
	s8 =	simm.s32 $0x2A50;
	s5 =	sadd.s32 $0xBB80, s5  }
.LBB2_1:
0xe: {  	[tilespmem:$0x29E0] =	vst v0  }
0xf: {  	[tilespmem:$0x29F0] =	vst v0  }
0x10: {  	[tilespmem:$0x2A00] =	vst v0  }
0x11: {  	[tilespmem:$0x2A10] =	vst v0  }
0x12: {  	[tilespmem:$0x2A20] =	vst v0  }
0x13: {  	[tilespmem:$0x2A30] =	vst v0  }
0x14: {  	[tilespmem:$0x2A40] =	vst v0  }
0x15: {  	[tilespmem:$0x2A50] =	vst v1  }
0x16: {  	[tilespmem:$0x2A60] =	vst v1  }
0x17: {  	[tilespmem:$0x2A70] =	vst v1  }
0x18: {  	[tilespmem:$0x2A80] =	vst v1  }
0x19: {  	[tilespmem:$0x2A90] =	vst v1  }
0x1a: {  	[tilespmem:$0x2AA0] =	vst v1  }
0x1b: {  	[tilespmem:$0x2AB0] =	vst v1  }
0x1c: {  	[tilespmem:$0x2AC0] =	vst v1  }
0x1d: {  	[tilespmem:$0x2AD0] =	vst v1  }
0x1e: {  	[tilespmem:$0x2AE0] =	vst v1  }
0x1f: {  	[tilespmem:$0x2AF0] =	vst v1  }
0x20: {  	[tilespmem:$0x2B00] =	vst v1  }
0x21: {  	[tilespmem:$0x2B10] =	vst v1  }
0x22: {  	[tilespmem:$0x2B20] =	vst v1  }
0x23: {  	[tilespmem:$0x2B30] =	vst v1  }
0x24: {  	[tilespmem:$0x2B40] =	vst v1  }
0x25: {  	[tilespmem:$0x2B50] =	vst v1  }
0x26: {  	[tilespmem:$0x2B60] =	vst v1  }
0x27: {  	[tilespmem:$0x2B70] =	vst v1  }
0x28: {  	[tilespmem:$0x2B80] =	vst v1  }
0x29: {  	[tilespmem:$0x2B90] =	vst v1  }
0x2a: {  	[tilespmem:$0x2BA0] =	vst v1  }
0x2b: {  	[tilespmem:$0x2BB0] =	vst v1  }
0x2c: {  	[tilespmem:$0x2BC0] =	vst v1  }
0x2d: {  	[tilespmem:$0x2BD0] =	vst v1  }
0x2e: {  	[tilespmem:$0x2BE0] =	vst v1  }
0x2f: {  	[tilespmem:$0x2BF0] =	vst v1  }
0x30: {  	[tilespmem:$0x2C00] =	vst v1  }
0x31: {  	[tilespmem:$0x2C10] =	vst v1  }
0x32: {  	[tilespmem:$0x2C20] =	vst v1  }
0x33: {  	[tilespmem:$0x2C30] =	vst v1  }
0x34: {  	[tilespmem:$0x2C40] =	vst v1  }
0x35: {  	[tilespmem:$0x2C50] =	vst v1  }
0x36: {  	[tilespmem:$0x2C60] =	vst v1  }
0x37: {  	[tilespmem:$0x2C70] =	vst v1  }
0x38: {  	[tilespmem:$0x2C80] =	vst v1  }
0x39: {  	[tilespmem:$0x2C90] =	vst v1  }
0x3a: {  	[tilespmem:$0x2CA0] =	vst v1  }
0x3b: {  	[tilespmem:$0x2CB0] =	vst v1  }
0x3c: {  	[tilespmem:$0x2CC0] =	vst v1  }
0x3d: {  	[spmem:s4] =	stream.linear.scatter [tilespmem:s8], [sflag:$0x1], $0x280, $0x38;
	[tilespmem:$0x2CD0] =	vst v63  }
0x3e: {  	_ =	swait.ge [sflag:s9], $0x280  }
0x3f: {  	[sflag:s9] =	ssyncset.done $0x0  }
0x40: {  	[sflag:s9] =	ssyncadd.s32 $0xFFFFFD80  }
0x41: {  	[tilespmem:s10], [sflag:$0x1] =	stream.linear.gather [hbm4b:s5+s3], $0x2760, $0x38;
	[tilespmem:$0x2CD0] =	vst v63  }
0x42: {  	_ =	swait.ge [sflag:s9], $0x2760  }
0x43: {  	[sflag:s9] =	ssyncset.done $0x0  }
0x44: {  	[sflag:s9] =	ssyncadd.s32 $0xFFFFD8A0  }
0x45: {  	s16 =	simm.s32 $0x280;
	[bflag:$0x0] =	sbarrier.arrive $0xFFFF  }
0x46: {  	[spmem:s2] =	stream.indirect.scatter.add.f32 [tilespmem:s12], [sflag:$0x1], $0x1, s16, s11, $0xb8;
	[tilespmem:$0x2CD0] =	vst v63  }
0x47: {  	s16 =	simm.s32 $0x1C0;
	_ =	swait.ge [sflag:s9], $0x70  }
.LBB2_2:
0x48: {  	s17 =	sshra.s32 s16, $0x2;
	[sflag:s9] =	ssyncset.done $0x0;
	p0 =	sne.s32 s16, $0x9BC0  }
.Ltmp0:
0x49: {  	s17 =	sadd.s32 $0x280, s17;
	[sflag:s9] =	ssyncadd.s32 $0xFFFFFF90;
	(pc) =	sbr.rel @p0 .LBB2_2-.Ltmp0, $3  }
0x4a: {  	[spmem:s2] =	stream.indirect.scatter.add.f32 [tilespmem:s12], [sflag:$0x1], $0x1, s17, s11, $0xb8;
	[tilespmem:$0x2CD0] =	vst v63  }
0x4b: {  	s16 =	sadd.s32 $0x1C0, s16;
	_ =	sdelay $0x1  }
0x4c: {  	_ =	swait.ge [sflag:s9], $0x70  }
0x4d: {  	[sflag:s9] =	ssyncset.done $0x0;
	s15 =	sadd.s32 $0x1, s15  }
0x4e: {  	[sflag:s9] =	ssyncadd.s32 $0xFFFFFF90;
	p0 =	sne.s32 s15, s7  }
.Ltmp1:
0x4f: {  	[bflag:$0x0] =	sbarrier.arrive $0xFFFF;
	(pc) =	sbr.rel @p0 .LBB2_1-.Ltmp1, $4  }
0x50: {  	[hbm:s6], [sflag:s13] =	dma.local [spmem:s14], $0x50  }
0x51: {  	_ =	swait.ge [sflag:s9], $0x50  }
0x52: {  	[sflag:s9] =	ssyncset.done $0x0  }
0x53: {  	[sflag:s9] =	ssyncadd.s32 $0xFFFFFFB0  }
0x54: {  	_ =	sfence.sel $0x180000  }
0x55: {  	[bflag:$0x0] =	sbarrier.arrive $0xFFFF  }
0x56: {  	p0 =	sne.s32 s0, $0x0;
	_ =	strace $0x90000047  }
0x57: {  	s0 =	sadd.s32 @!p0 $0x100000, s1;
	[bflag:$0x2] =	sbarrier.arrive $0xFFFF  }
0x58: {  	[sflag:s0] =	ssyncadd.tile.s32 @!p0 $0x1;
	_ =	shalt  }
.Lfunc_end2:
_tile_overlayer_lowered:
.L_overlay_start_2:
0x59: {  	(tag) =	ssettag $0x2  }
0x5a: {  	s0 =	rddreg [dreg:$0x0];
	s2 =	stileid.u32  }
0x5b: {  	s1 =	rddreg [dreg:$0x1];
	p0 =	sne.s32 s2, $0x0  }
0x5c: {  	s3 =	rddreg [dreg:$0x2];
	[bflag:$0x3] =	sbarrier.arrive $0xFFFF;
	s2 =	simm.s32 @!p0 $0x1C01  }
0x5d: {  	[timem:s3], [sflag:s2] =	dma.local @!p0 [hbm:s0], s1  }
0x5e: {  	s0 =	simm.s32 @!p0 $0x1  }
0x5f: {  	_ =	swait.ge @!p0 [sflag:s0], s1  }
0x60: {  	s1 =	ssub.s32 @!p0 $0x0, s1;
	[sflag:s0] =	ssyncset.done @!p0 $0x0  }
0x61: {  	[sflag:s0] =	ssyncadd.s32 @!p0 s1  }
0x62: {  	[bflag:$0x3] =	sbarrier.arrive $0xFFFF  }
0x63: {  	_ =	shalt  }

</sc_bundles>
